<compile_context>
chip_gen: v7x
topology: tpu7x:2x2x1
jax: 0.10.2.dev20260603
libtpu: 0.0.44.dev20260713+nightly
codegen_flags: <defaults>
</compile_context>

<pallas_src>
import functools

import jax
import jax.numpy as jnp
from jax import lax
from jax.experimental import pallas as pl
from jax.experimental.pallas import tpu as pltpu
from jax.experimental.pallas import tpu_sc as plsc

VOCAB = 1_000_000
EMBED_DIM = 32
BATCH = 16384
HIST = 50

_NC = 2
_NS = 16
_NW = _NC * _NS

_B = BATCH * HIST
_BW = BATCH // _NW
_NBUF = 4
_NCHUNKS = HIST
_NITER = 48 // _NBUF

_mesh = plsc.VectorSubcoreMesh(core_axis_name="c", subcore_axis_name="s")


@functools.partial(
    pl.kernel,
    mesh=_mesh,
    out_type=jax.ShapeDtypeStruct((HIST, BATCH, EMBED_DIM), jnp.float32),
    scratch_types=[
        pltpu.VMEM((HIST, _BW), jnp.int32),
        [pltpu.VMEM((_BW, EMBED_DIM), jnp.float32) for _ in range(_NBUF)],
        [pltpu.SemaphoreType.DMA for _ in range(_NBUF)],
        [pltpu.SemaphoreType.DMA for _ in range(_NBUF)],
        pltpu.SemaphoreType.DMA,
    ],
    compiler_params=pltpu.CompilerParams(use_tc_tiling_on_sc=False),
)
def _gather_kernel(idx_hbm, table_hbm, out_hbm, idx_v, rows, gsem, osem, isem):
    wid = lax.axis_index("s") * _NC + lax.axis_index("c")
    b0 = wid * _BW

    pltpu.async_copy(idx_hbm.at[:, pl.ds(b0, _BW)], idx_v, isem).wait()

    def gather_for(h, k):
        return pltpu.make_async_copy(
            table_hbm.at[idx_v.at[h]], rows[k], gsem[k])

    def out_for(h, k):
        return pltpu.make_async_copy(
            rows[k], out_hbm.at[h, pl.ds(b0, _BW)], osem[k])

    def body(i, carry):
        for k in range(_NBUF):
            h = i * _NBUF + k

            @pl.when(h >= _NBUF)
            def _():
                out_for(h, k).wait()

            gather_for(h, k).start()

            km1 = (k + _NBUF - 1) % _NBUF

            @pl.when(h >= 1)
            def _():
                gather_for(h, km1).wait()
                out_for(h - 1, km1).start()

        return carry

    lax.fori_loop(0, _NITER, body, 0)

    for h in (48, 49):
        k = h % _NBUF
        out_for(h, k).wait()
        gather_for(h, k).start()
        km1 = (k + _NBUF - 1) % _NBUF
        gather_for(h, km1).wait()
        out_for(h - 1, km1).start()
    gather_for(49, 49 % _NBUF).wait()
    out_for(49, 49 % _NBUF).start()
    for h in range(_NCHUNKS - _NBUF, _NCHUNKS):
        out_for(h, h % _NBUF).wait()


def kernel(x, table):
    xt = x.T.astype(jnp.int32)
    out = _gather_kernel(xt, table)
    return out.transpose(1, 0, 2)

# --- scband reference (transcript-rebuilt; emitter-appended) ---
"""Pipeline reference for scband-simple-embedding-encoder-1606317769483 (READ-ONLY COPY).

The authoritative reference and input builder live on the scoring server;
editing this copy changes nothing except your own understanding.
"""

import jax, jax.numpy as jnp
import numpy as np

VOCAB = 1000000
EMBED_DIM = 32
BATCH = 16384
HIST = 50

def setup_inputs(seed: int = 0) -> dict:
    key = jax.random.key(seed)
    k_idx, k_tab = jax.random.split(key)
    x = jax.random.randint(k_idx, (BATCH, HIST), 0, VOCAB, dtype=jnp.int64)
    table = jax.random.normal(k_tab, (VOCAB, EMBED_DIM), dtype=jnp.float32) * 0.02
    return {"x": x, "table": table}

def reference(x, table):
    # nn.Embedding forward: gather rows of the table by index
    return jnp.take(table, x, axis=0)

if __name__ == "__main__":
    import jax
    _d = setup_inputs()
    print(jax.jit(kernel)(*tuple(_d.values())))

</pallas_src>

<mosaic_0001>
#map = affine_map<(d0, d1) -> (0, 0)>
#map1 = affine_map<(d0, d1) -> (0, 0, 0)>
module attributes {stable_mosaic.version = 14 : i64} {
  func.func @_gather_kernel(%arg0: i32, %arg1: i32, %arg2: memref<50x16384xi32, #tpu.memory_space<hbm>>, %arg3: memref<1000000x32xf32, #tpu.memory_space<hbm>>, %arg4: memref<50x16384x32xf32, #tpu.memory_space<hbm>>, %arg5: memref<50x512xi32, #tpu.memory_space<vmem>>, %arg6: memref<512x32xf32, #tpu.memory_space<vmem>>, %arg7: memref<512x32xf32, #tpu.memory_space<vmem>>, %arg8: memref<512x32xf32, #tpu.memory_space<vmem>>, %arg9: memref<512x32xf32, #tpu.memory_space<vmem>>, %arg10: memref<!tpu.dma_semaphore, #tpu.memory_space<semaphore_mem>>, %arg11: memref<!tpu.dma_semaphore, #tpu.memory_space<semaphore_mem>>, %arg12: memref<!tpu.dma_semaphore, #tpu.memory_space<semaphore_mem>>, %arg13: memref<!tpu.dma_semaphore, #tpu.memory_space<semaphore_mem>>, %arg14: memref<!tpu.dma_semaphore, #tpu.memory_space<semaphore_mem>>, %arg15: memref<!tpu.dma_semaphore, #tpu.memory_space<semaphore_mem>>, %arg16: memref<!tpu.dma_semaphore, #tpu.memory_space<semaphore_mem>>, %arg17: memref<!tpu.dma_semaphore, #tpu.memory_space<semaphore_mem>>, %arg18: memref<!tpu.dma_semaphore, #tpu.memory_space<semaphore_mem>>) attributes {dimension_semantics = [#tpu.dimension_semantics<core_parallel>, #tpu.dimension_semantics<subcore_parallel>], iteration_bounds = array<i64: 2, 16>, scalar_prefetch = 0 : i64, scratch_operands = 14 : i64, tpu.core_type = #tpu.core_type<sc_vector_subcore>, window_params = [{transform_indices = #map}, {transform_indices = #map}, {transform_indices = #map1}]} {
    %mul3A = arith.constant 2 : i32
    %mul3A_0 = arith.muli %arg1, %mul3A : i32
    %add3A = arith.addi %mul3A_0, %arg0 : i32
    %mul3A_1 = arith.constant 512 : i32
    %mul3A_2 = arith.muli %add3A, %mul3A_1 : i32
    %dma_start3A = arith.constant 0 : i32
    %dma_start3A_3 = tpu.memref_slice %arg2[%dma_start3A, %mul3A_2] : memref<50x16384xi32, #tpu.memory_space<hbm>> -> memref<50x512xi32, #tpu.memory_space<hbm>>
    %dma_start3A_4 = arith.constant 0 : i32
    %dma_start3A_5 = tpu.memref_slice %arg2[%dma_start3A_4, %mul3A_2] : memref<50x16384xi32, #tpu.memory_space<hbm>> -> memref<50x512xi32, #tpu.memory_space<hbm>>
    tpu.enqueue_dma source(%dma_start3A_5 : memref<50x512xi32, #tpu.memory_space<hbm>>) target(%arg5 : memref<50x512xi32, #tpu.memory_space<vmem>>) target_semaphore(%arg18 : memref<!tpu.dma_semaphore, #tpu.memory_space<semaphore_mem>>)
    %dma_wait3A = arith.constant 0 : i32
    %dma_wait3A_6 = tpu.memref_slice %arg2[%dma_wait3A, %mul3A_2] : memref<50x16384xi32, #tpu.memory_space<hbm>> -> memref<50x512xi32, #tpu.memory_space<hbm>>
    %dma_wait3A_7 = arith.constant 0 : i32
    %dma_wait3A_8 = tpu.memref_slice %arg2[%dma_wait3A_7, %mul3A_2] : memref<50x16384xi32, #tpu.memory_space<hbm>> -> memref<50x512xi32, #tpu.memory_space<hbm>>
    tpu.wait_dma2 semaphore(%arg18 : memref<!tpu.dma_semaphore, #tpu.memory_space<semaphore_mem>>) src(%dma_wait3A_8 : memref<50x512xi32, #tpu.memory_space<hbm>>) dst(%arg5 : memref<50x512xi32, #tpu.memory_space<vmem>>)
    %scan3A = arith.constant 0 : i32
    %scan3A_9 = arith.constant 0 : i32
    %scan3A_10 = arith.constant 12 : i32
    %scan3A_11 = arith.addi %scan3A_9, %scan3A_10 : i32
    %scan3A_12 = arith.constant 1 : i32
    scf.for %scan3A_112 = %scan3A_9 to %scan3A_11 step %scan3A_12  : i32 {
      %mul3A_113 = arith.constant 4 : i32
      %mul3A_114 = arith.muli %scan3A_112, %mul3A_113 : i32
      %add3A_115 = arith.constant 0 : i32
      %add3A_116 = arith.addi %mul3A_114, %add3A_115 : i32
      %ge3A = arith.constant 4 : i32
      %ge3A_117 = arith.cmpi sge, %add3A_116, %ge3A : i32
      %convert_element_type3A = arith.extui %ge3A_117 : i1 to i32
      %cond3A = arith.constant 0 : i32
      %cond3A_118 = arith.cmpi ne, %convert_element_type3A, %cond3A : i32
      scf.if %cond3A_118 {
        %dma_wait3A_190 = arith.constant 0 : i32
        %dma_wait3A_191 = tpu.memref_slice %arg4[%add3A_116, %mul3A_2, %dma_wait3A_190] : memref<50x16384x32xf32, #tpu.memory_space<hbm>> -> memref<1x512x32xf32, #tpu.memory_space<hbm>>
        %dma_wait3A_192 = tpu.memref_squeeze %dma_wait3A_191 : memref<1x512x32xf32, #tpu.memory_space<hbm>> -> memref<512x32xf32, #tpu.memory_space<hbm>>
        %dma_wait3A_193 = arith.constant 0 : i32
        %dma_wait3A_194 = tpu.memref_slice %arg4[%add3A_116, %mul3A_2, %dma_wait3A_193] : memref<50x16384x32xf32, #tpu.memory_space<hbm>> -> memref<1x512x32xf32, #tpu.memory_space<hbm>>
        %dma_wait3A_195 = tpu.memref_squeeze %dma_wait3A_194 : memref<1x512x32xf32, #tpu.memory_space<hbm>> -> memref<512x32xf32, #tpu.memory_space<hbm>>
        tpu.wait_dma2 semaphore(%arg14 : memref<!tpu.dma_semaphore, #tpu.memory_space<semaphore_mem>>) src(%arg6 : memref<512x32xf32, #tpu.memory_space<vmem>>) dst(%dma_wait3A_195 : memref<512x32xf32, #tpu.memory_space<hbm>>)
      } else {
      }
      %dma_start3A_119 = arith.constant 0 : i32
      %dma_start3A_120 = tpu.memref_slice %arg5[%add3A_116, %dma_start3A_119] : memref<50x512xi32, #tpu.memory_space<vmem>> -> memref<1x512xi32, #tpu.memory_space<vmem>>
      %dma_start3A_121 = tpu.memref_squeeze %dma_start3A_120 : memref<1x512xi32, #tpu.memory_space<vmem>> -> memref<512xi32, #tpu.memory_space<vmem>>
      %dma_start3A_122 = arith.constant 0 : i32
      %dma_start3A_123 = arith.constant 0 : i32
      %dma_start3A_124 = tpu.memref_slice %arg3[%dma_start3A_122, %dma_start3A_123] : memref<1000000x32xf32, #tpu.memory_space<hbm>> -> memref<1000000x32xf32, #tpu.memory_space<hbm>>
      tpu.enqueue_indirect_dma source(%dma_start3A_124 : memref<1000000x32xf32, #tpu.memory_space<hbm>>) target(%arg6 : memref<512x32xf32, #tpu.memory_space<vmem>>) offsets(%dma_start3A_121 : memref<512xi32, #tpu.memory_space<vmem>>) semaphore(%arg10 : memref<!tpu.dma_semaphore, #tpu.memory_space<semaphore_mem>>)
      %ge3A_125 = arith.constant 1 : i32
      %ge3A_126 = arith.cmpi sge, %add3A_116, %ge3A_125 : i32
      %convert_element_type3A_127 = arith.extui %ge3A_126 : i1 to i32
      %cond3A_128 = arith.constant 0 : i32
      %cond3A_129 = arith.cmpi ne, %convert_element_type3A_127, %cond3A_128 : i32
      scf.if %cond3A_129 {
        %dma_wait3A_190 = arith.constant 0 : i32
        %dma_wait3A_191 = tpu.memref_slice %arg5[%add3A_116, %dma_wait3A_190] : memref<50x512xi32, #tpu.memory_space<vmem>> -> memref<1x512xi32, #tpu.memory_space<vmem>>
        %dma_wait3A_192 = tpu.memref_squeeze %dma_wait3A_191 : memref<1x512xi32, #tpu.memory_space<vmem>> -> memref<512xi32, #tpu.memory_space<vmem>>
        %dma_wait3A_193 = arith.constant 0 : i32
        %dma_wait3A_194 = arith.constant 0 : i32
        %dma_wait3A_195 = tpu.memref_slice %arg3[%dma_wait3A_193, %dma_wait3A_194] : memref<1000000x32xf32, #tpu.memory_space<hbm>> -> memref<1000000x32xf32, #tpu.memory_space<hbm>>
        tpu.wait_indirect_dma semaphore(%arg13 : memref<!tpu.dma_semaphore, #tpu.memory_space<semaphore_mem>>) src(%dma_wait3A_195 : memref<1000000x32xf32, #tpu.memory_space<hbm>>) dst(%arg9 : memref<512x32xf32, #tpu.memory_space<vmem>>)
        %sub3A = arith.constant 1 : i32
        %sub3A_196 = arith.subi %add3A_116, %sub3A : i32
        %dma_start3A_197 = arith.constant 0 : i32
        %dma_start3A_198 = tpu.memref_slice %arg4[%sub3A_196, %mul3A_2, %dma_start3A_197] : memref<50x16384x32xf32, #tpu.memory_space<hbm>> -> memref<1x512x32xf32, #tpu.memory_space<hbm>>
        %dma_start3A_199 = tpu.memref_squeeze %dma_start3A_198 : memref<1x512x32xf32, #tpu.memory_space<hbm>> -> memref<512x32xf32, #tpu.memory_space<hbm>>
        %dma_start3A_200 = arith.constant 0 : i32
        %dma_start3A_201 = tpu.memref_slice %arg4[%sub3A_196, %mul3A_2, %dma_start3A_200] : memref<50x16384x32xf32, #tpu.memory_space<hbm>> -> memref<1x512x32xf32, #tpu.memory_space<hbm>>
        %dma_start3A_202 = tpu.memref_squeeze %dma_start3A_201 : memref<1x512x32xf32, #tpu.memory_space<hbm>> -> memref<512x32xf32, #tpu.memory_space<hbm>>
        tpu.enqueue_dma source(%arg9 : memref<512x32xf32, #tpu.memory_space<vmem>>) target(%dma_start3A_202 : memref<512x32xf32, #tpu.memory_space<hbm>>) target_semaphore(%arg17 : memref<!tpu.dma_semaphore, #tpu.memory_space<semaphore_mem>>)
      } else {
      }
      %mul3A_130 = arith.constant 4 : i32
      %mul3A_131 = arith.muli %scan3A_112, %mul3A_130 : i32
      %add3A_132 = arith.constant 1 : i32
      %add3A_133 = arith.addi %mul3A_131, %add3A_132 : i32
      %ge3A_134 = arith.constant 4 : i32
      %ge3A_135 = arith.cmpi sge, %add3A_133, %ge3A_134 : i32
      %convert_element_type3A_136 = arith.extui %ge3A_135 : i1 to i32
      %cond3A_137 = arith.constant 0 : i32
      %cond3A_138 = arith.cmpi ne, %convert_element_type3A_136, %cond3A_137 : i32
      scf.if %cond3A_138 {
        %dma_wait3A_190 = arith.constant 0 : i32
        %dma_wait3A_191 = tpu.memref_slice %arg4[%add3A_133, %mul3A_2, %dma_wait3A_190] : memref<50x16384x32xf32, #tpu.memory_space<hbm>> -> memref<1x512x32xf32, #tpu.memory_space<hbm>>
        %dma_wait3A_192 = tpu.memref_squeeze %dma_wait3A_191 : memref<1x512x32xf32, #tpu.memory_space<hbm>> -> memref<512x32xf32, #tpu.memory_space<hbm>>
        %dma_wait3A_193 = arith.constant 0 : i32
        %dma_wait3A_194 = tpu.memref_slice %arg4[%add3A_133, %mul3A_2, %dma_wait3A_193] : memref<50x16384x32xf32, #tpu.memory_space<hbm>> -> memref<1x512x32xf32, #tpu.memory_space<hbm>>
        %dma_wait3A_195 = tpu.memref_squeeze %dma_wait3A_194 : memref<1x512x32xf32, #tpu.memory_space<hbm>> -> memref<512x32xf32, #tpu.memory_space<hbm>>
        tpu.wait_dma2 semaphore(%arg15 : memref<!tpu.dma_semaphore, #tpu.memory_space<semaphore_mem>>) src(%arg7 : memref<512x32xf32, #tpu.memory_space<vmem>>) dst(%dma_wait3A_195 : memref<512x32xf32, #tpu.memory_space<hbm>>)
      } else {
      }
      %dma_start3A_139 = arith.constant 0 : i32
      %dma_start3A_140 = tpu.memref_slice %arg5[%add3A_133, %dma_start3A_139] : memref<50x512xi32, #tpu.memory_space<vmem>> -> memref<1x512xi32, #tpu.memory_space<vmem>>
      %dma_start3A_141 = tpu.memref_squeeze %dma_start3A_140 : memref<1x512xi32, #tpu.memory_space<vmem>> -> memref<512xi32, #tpu.memory_space<vmem>>
      %dma_start3A_142 = arith.constant 0 : i32
      %dma_start3A_143 = arith.constant 0 : i32
      %dma_start3A_144 = tpu.memref_slice %arg3[%dma_start3A_142, %dma_start3A_143] : memref<1000000x32xf32, #tpu.memory_space<hbm>> -> memref<1000000x32xf32, #tpu.memory_space<hbm>>
      tpu.enqueue_indirect_dma source(%dma_start3A_144 : memref<1000000x32xf32, #tpu.memory_space<hbm>>) target(%arg7 : memref<512x32xf32, #tpu.memory_space<vmem>>) offsets(%dma_start3A_141 : memref<512xi32, #tpu.memory_space<vmem>>) semaphore(%arg11 : memref<!tpu.dma_semaphore, #tpu.memory_space<semaphore_mem>>)
      %ge3A_145 = arith.constant 1 : i32
      %ge3A_146 = arith.cmpi sge, %add3A_133, %ge3A_145 : i32
      %convert_element_type3A_147 = arith.extui %ge3A_146 : i1 to i32
      %cond3A_148 = arith.constant 0 : i32
      %cond3A_149 = arith.cmpi ne, %convert_element_type3A_147, %cond3A_148 : i32
      scf.if %cond3A_149 {
        %dma_wait3A_190 = arith.constant 0 : i32
        %dma_wait3A_191 = tpu.memref_slice %arg5[%add3A_133, %dma_wait3A_190] : memref<50x512xi32, #tpu.memory_space<vmem>> -> memref<1x512xi32, #tpu.memory_space<vmem>>
        %dma_wait3A_192 = tpu.memref_squeeze %dma_wait3A_191 : memref<1x512xi32, #tpu.memory_space<vmem>> -> memref<512xi32, #tpu.memory_space<vmem>>
        %dma_wait3A_193 = arith.constant 0 : i32
        %dma_wait3A_194 = arith.constant 0 : i32
        %dma_wait3A_195 = tpu.memref_slice %arg3[%dma_wait3A_193, %dma_wait3A_194] : memref<1000000x32xf32, #tpu.memory_space<hbm>> -> memref<1000000x32xf32, #tpu.memory_space<hbm>>
        tpu.wait_indirect_dma semaphore(%arg10 : memref<!tpu.dma_semaphore, #tpu.memory_space<semaphore_mem>>) src(%dma_wait3A_195 : memref<1000000x32xf32, #tpu.memory_space<hbm>>) dst(%arg6 : memref<512x32xf32, #tpu.memory_space<vmem>>)
        %sub3A = arith.constant 1 : i32
        %sub3A_196 = arith.subi %add3A_133, %sub3A : i32
        %dma_start3A_197 = arith.constant 0 : i32
        %dma_start3A_198 = tpu.memref_slice %arg4[%sub3A_196, %mul3A_2, %dma_start3A_197] : memref<50x16384x32xf32, #tpu.memory_space<hbm>> -> memref<1x512x32xf32, #tpu.memory_space<hbm>>
        %dma_start3A_199 = tpu.memref_squeeze %dma_start3A_198 : memref<1x512x32xf32, #tpu.memory_space<hbm>> -> memref<512x32xf32, #tpu.memory_space<hbm>>
        %dma_start3A_200 = arith.constant 0 : i32
        %dma_start3A_201 = tpu.memref_slice %arg4[%sub3A_196, %mul3A_2, %dma_start3A_200] : memref<50x16384x32xf32, #tpu.memory_space<hbm>> -> memref<1x512x32xf32, #tpu.memory_space<hbm>>
        %dma_start3A_202 = tpu.memref_squeeze %dma_start3A_201 : memref<1x512x32xf32, #tpu.memory_space<hbm>> -> memref<512x32xf32, #tpu.memory_space<hbm>>
        tpu.enqueue_dma source(%arg6 : memref<512x32xf32, #tpu.memory_space<vmem>>) target(%dma_start3A_202 : memref<512x32xf32, #tpu.memory_space<hbm>>) target_semaphore(%arg14 : memref<!tpu.dma_semaphore, #tpu.memory_space<semaphore_mem>>)
      } else {
      }
      %mul3A_150 = arith.constant 4 : i32
      %mul3A_151 = arith.muli %scan3A_112, %mul3A_150 : i32
      %add3A_152 = arith.constant 2 : i32
      %add3A_153 = arith.addi %mul3A_151, %add3A_152 : i32
      %ge3A_154 = arith.constant 4 : i32
      %ge3A_155 = arith.cmpi sge, %add3A_153, %ge3A_154 : i32
      %convert_element_type3A_156 = arith.extui %ge3A_155 : i1 to i32
      %cond3A_157 = arith.constant 0 : i32
      %cond3A_158 = arith.cmpi ne, %convert_element_type3A_156, %cond3A_157 : i32
      scf.if %cond3A_158 {
        %dma_wait3A_190 = arith.constant 0 : i32
        %dma_wait3A_191 = tpu.memref_slice %arg4[%add3A_153, %mul3A_2, %dma_wait3A_190] : memref<50x16384x32xf32, #tpu.memory_space<hbm>> -> memref<1x512x32xf32, #tpu.memory_space<hbm>>
        %dma_wait3A_192 = tpu.memref_squeeze %dma_wait3A_191 : memref<1x512x32xf32, #tpu.memory_space<hbm>> -> memref<512x32xf32, #tpu.memory_space<hbm>>
        %dma_wait3A_193 = arith.constant 0 : i32
        %dma_wait3A_194 = tpu.memref_slice %arg4[%add3A_153, %mul3A_2, %dma_wait3A_193] : memref<50x16384x32xf32, #tpu.memory_space<hbm>> -> memref<1x512x32xf32, #tpu.memory_space<hbm>>
        %dma_wait3A_195 = tpu.memref_squeeze %dma_wait3A_194 : memref<1x512x32xf32, #tpu.memory_space<hbm>> -> memref<512x32xf32, #tpu.memory_space<hbm>>
        tpu.wait_dma2 semaphore(%arg16 : memref<!tpu.dma_semaphore, #tpu.memory_space<semaphore_mem>>) src(%arg8 : memref<512x32xf32, #tpu.memory_space<vmem>>) dst(%dma_wait3A_195 : memref<512x32xf32, #tpu.memory_space<hbm>>)
      } else {
      }
      %dma_start3A_159 = arith.constant 0 : i32
      %dma_start3A_160 = tpu.memref_slice %arg5[%add3A_153, %dma_start3A_159] : memref<50x512xi32, #tpu.memory_space<vmem>> -> memref<1x512xi32, #tpu.memory_space<vmem>>
      %dma_start3A_161 = tpu.memref_squeeze %dma_start3A_160 : memref<1x512xi32, #tpu.memory_space<vmem>> -> memref<512xi32, #tpu.memory_space<vmem>>
      %dma_start3A_162 = arith.constant 0 : i32
      %dma_start3A_163 = arith.constant 0 : i32
      %dma_start3A_164 = tpu.memref_slice %arg3[%dma_start3A_162, %dma_start3A_163] : memref<1000000x32xf32, #tpu.memory_space<hbm>> -> memref<1000000x32xf32, #tpu.memory_space<hbm>>
      tpu.enqueue_indirect_dma source(%dma_start3A_164 : memref<1000000x32xf32, #tpu.memory_space<hbm>>) target(%arg8 : memref<512x32xf32, #tpu.memory_space<vmem>>) offsets(%dma_start3A_161 : memref<512xi32, #tpu.memory_space<vmem>>) semaphore(%arg12 : memref<!tpu.dma_semaphore, #tpu.memory_space<semaphore_mem>>)
      %ge3A_165 = arith.constant 1 : i32
      %ge3A_166 = arith.cmpi sge, %add3A_153, %ge3A_165 : i32
      %convert_element_type3A_167 = arith.extui %ge3A_166 : i1 to i32
      %cond3A_168 = arith.constant 0 : i32
      %cond3A_169 = arith.cmpi ne, %convert_element_type3A_167, %cond3A_168 : i32
      scf.if %cond3A_169 {
        %dma_wait3A_190 = arith.constant 0 : i32
        %dma_wait3A_191 = tpu.memref_slice %arg5[%add3A_153, %dma_wait3A_190] : memref<50x512xi32, #tpu.memory_space<vmem>> -> memref<1x512xi32, #tpu.memory_space<vmem>>
        %dma_wait3A_192 = tpu.memref_squeeze %dma_wait3A_191 : memref<1x512xi32, #tpu.memory_space<vmem>> -> memref<512xi32, #tpu.memory_space<vmem>>
        %dma_wait3A_193 = arith.constant 0 : i32
        %dma_wait3A_194 = arith.constant 0 : i32
        %dma_wait3A_195 = tpu.memref_slice %arg3[%dma_wait3A_193, %dma_wait3A_194] : memref<1000000x32xf32, #tpu.memory_space<hbm>> -> memref<1000000x32xf32, #tpu.memory_space<hbm>>
        tpu.wait_indirect_dma semaphore(%arg11 : memref<!tpu.dma_semaphore, #tpu.memory_space<semaphore_mem>>) src(%dma_wait3A_195 : memref<1000000x32xf32, #tpu.memory_space<hbm>>) dst(%arg7 : memref<512x32xf32, #tpu.memory_space<vmem>>)
        %sub3A = arith.constant 1 : i32
        %sub3A_196 = arith.subi %add3A_153, %sub3A : i32
        %dma_start3A_197 = arith.constant 0 : i32
        %dma_start3A_198 = tpu.memref_slice %arg4[%sub3A_196, %mul3A_2, %dma_start3A_197] : memref<50x16384x32xf32, #tpu.memory_space<hbm>> -> memref<1x512x32xf32, #tpu.memory_space<hbm>>
        %dma_start3A_199 = tpu.memref_squeeze %dma_start3A_198 : memref<1x512x32xf32, #tpu.memory_space<hbm>> -> memref<512x32xf32, #tpu.memory_space<hbm>>
        %dma_start3A_200 = arith.constant 0 : i32
        %dma_start3A_201 = tpu.memref_slice %arg4[%sub3A_196, %mul3A_2, %dma_start3A_200] : memref<50x16384x32xf32, #tpu.memory_space<hbm>> -> memref<1x512x32xf32, #tpu.memory_space<hbm>>
        %dma_start3A_202 = tpu.memref_squeeze %dma_start3A_201 : memref<1x512x32xf32, #tpu.memory_space<hbm>> -> memref<512x32xf32, #tpu.memory_space<hbm>>
        tpu.enqueue_dma source(%arg7 : memref<512x32xf32, #tpu.memory_space<vmem>>) target(%dma_start3A_202 : memref<512x32xf32, #tpu.memory_space<hbm>>) target_semaphore(%arg15 : memref<!tpu.dma_semaphore, #tpu.memory_space<semaphore_mem>>)
      } else {
      }
      %mul3A_170 = arith.constant 4 : i32
      %mul3A_171 = arith.muli %scan3A_112, %mul3A_170 : i32
      %add3A_172 = arith.constant 3 : i32
      %add3A_173 = arith.addi %mul3A_171, %add3A_172 : i32
      %ge3A_174 = arith.constant 4 : i32
      %ge3A_175 = arith.cmpi sge, %add3A_173, %ge3A_174 : i32
      %convert_element_type3A_176 = arith.extui %ge3A_175 : i1 to i32
      %cond3A_177 = arith.constant 0 : i32
      %cond3A_178 = arith.cmpi ne, %convert_element_type3A_176, %cond3A_177 : i32
      scf.if %cond3A_178 {
        %dma_wait3A_190 = arith.constant 0 : i32
        %dma_wait3A_191 = tpu.memref_slice %arg4[%add3A_173, %mul3A_2, %dma_wait3A_190] : memref<50x16384x32xf32, #tpu.memory_space<hbm>> -> memref<1x512x32xf32, #tpu.memory_space<hbm>>
        %dma_wait3A_192 = tpu.memref_squeeze %dma_wait3A_191 : memref<1x512x32xf32, #tpu.memory_space<hbm>> -> memref<512x32xf32, #tpu.memory_space<hbm>>
        %dma_wait3A_193 = arith.constant 0 : i32
        %dma_wait3A_194 = tpu.memref_slice %arg4[%add3A_173, %mul3A_2, %dma_wait3A_193] : memref<50x16384x32xf32, #tpu.memory_space<hbm>> -> memref<1x512x32xf32, #tpu.memory_space<hbm>>
        %dma_wait3A_195 = tpu.memref_squeeze %dma_wait3A_194 : memref<1x512x32xf32, #tpu.memory_space<hbm>> -> memref<512x32xf32, #tpu.memory_space<hbm>>
        tpu.wait_dma2 semaphore(%arg17 : memref<!tpu.dma_semaphore, #tpu.memory_space<semaphore_mem>>) src(%arg9 : memref<512x32xf32, #tpu.memory_space<vmem>>) dst(%dma_wait3A_195 : memref<512x32xf32, #tpu.memory_space<hbm>>)
      } else {
      }
      %dma_start3A_179 = arith.constant 0 : i32
      %dma_start3A_180 = tpu.memref_slice %arg5[%add3A_173, %dma_start3A_179] : memref<50x512xi32, #tpu.memory_space<vmem>> -> memref<1x512xi32, #tpu.memory_space<vmem>>
      %dma_start3A_181 = tpu.memref_squeeze %dma_start3A_180 : memref<1x512xi32, #tpu.memory_space<vmem>> -> memref<512xi32, #tpu.memory_space<vmem>>
      %dma_start3A_182 = arith.constant 0 : i32
      %dma_start3A_183 = arith.constant 0 : i32
      %dma_start3A_184 = tpu.memref_slice %arg3[%dma_start3A_182, %dma_start3A_183] : memref<1000000x32xf32, #tpu.memory_space<hbm>> -> memref<1000000x32xf32, #tpu.memory_space<hbm>>
      tpu.enqueue_indirect_dma source(%dma_start3A_184 : memref<1000000x32xf32, #tpu.memory_space<hbm>>) target(%arg9 : memref<512x32xf32, #tpu.memory_space<vmem>>) offsets(%dma_start3A_181 : memref<512xi32, #tpu.memory_space<vmem>>) semaphore(%arg13 : memref<!tpu.dma_semaphore, #tpu.memory_space<semaphore_mem>>)
      %ge3A_185 = arith.constant 1 : i32
      %ge3A_186 = arith.cmpi sge, %add3A_173, %ge3A_185 : i32
      %convert_element_type3A_187 = arith.extui %ge3A_186 : i1 to i32
      %cond3A_188 = arith.constant 0 : i32
      %cond3A_189 = arith.cmpi ne, %convert_element_type3A_187, %cond3A_188 : i32
      scf.if %cond3A_189 {
        %dma_wait3A_190 = arith.constant 0 : i32
        %dma_wait3A_191 = tpu.memref_slice %arg5[%add3A_173, %dma_wait3A_190] : memref<50x512xi32, #tpu.memory_space<vmem>> -> memref<1x512xi32, #tpu.memory_space<vmem>>
        %dma_wait3A_192 = tpu.memref_squeeze %dma_wait3A_191 : memref<1x512xi32, #tpu.memory_space<vmem>> -> memref<512xi32, #tpu.memory_space<vmem>>
        %dma_wait3A_193 = arith.constant 0 : i32
        %dma_wait3A_194 = arith.constant 0 : i32
        %dma_wait3A_195 = tpu.memref_slice %arg3[%dma_wait3A_193, %dma_wait3A_194] : memref<1000000x32xf32, #tpu.memory_space<hbm>> -> memref<1000000x32xf32, #tpu.memory_space<hbm>>
        tpu.wait_indirect_dma semaphore(%arg12 : memref<!tpu.dma_semaphore, #tpu.memory_space<semaphore_mem>>) src(%dma_wait3A_195 : memref<1000000x32xf32, #tpu.memory_space<hbm>>) dst(%arg8 : memref<512x32xf32, #tpu.memory_space<vmem>>)
        %sub3A = arith.constant 1 : i32
        %sub3A_196 = arith.subi %add3A_173, %sub3A : i32
        %dma_start3A_197 = arith.constant 0 : i32
        %dma_start3A_198 = tpu.memref_slice %arg4[%sub3A_196, %mul3A_2, %dma_start3A_197] : memref<50x16384x32xf32, #tpu.memory_space<hbm>> -> memref<1x512x32xf32, #tpu.memory_space<hbm>>
        %dma_start3A_199 = tpu.memref_squeeze %dma_start3A_198 : memref<1x512x32xf32, #tpu.memory_space<hbm>> -> memref<512x32xf32, #tpu.memory_space<hbm>>
        %dma_start3A_200 = arith.constant 0 : i32
        %dma_start3A_201 = tpu.memref_slice %arg4[%sub3A_196, %mul3A_2, %dma_start3A_200] : memref<50x16384x32xf32, #tpu.memory_space<hbm>> -> memref<1x512x32xf32, #tpu.memory_space<hbm>>
        %dma_start3A_202 = tpu.memref_squeeze %dma_start3A_201 : memref<1x512x32xf32, #tpu.memory_space<hbm>> -> memref<512x32xf32, #tpu.memory_space<hbm>>
        tpu.enqueue_dma source(%arg8 : memref<512x32xf32, #tpu.memory_space<vmem>>) target(%dma_start3A_202 : memref<512x32xf32, #tpu.memory_space<hbm>>) target_semaphore(%arg16 : memref<!tpu.dma_semaphore, #tpu.memory_space<semaphore_mem>>)
      } else {
      }
    }
    %scan3A_13 = arith.constant 12 : i32
    %dma_wait3A_14 = arith.constant 48 : i32
    %dma_wait3A_15 = arith.constant 0 : i32
    %dma_wait3A_16 = tpu.memref_slice %arg4[%dma_wait3A_14, %mul3A_2, %dma_wait3A_15] : memref<50x16384x32xf32, #tpu.memory_space<hbm>> -> memref<1x512x32xf32, #tpu.memory_space<hbm>>
    %dma_wait3A_17 = tpu.memref_squeeze %dma_wait3A_16 : memref<1x512x32xf32, #tpu.memory_space<hbm>> -> memref<512x32xf32, #tpu.memory_space<hbm>>
    %dma_wait3A_18 = arith.constant 0 : i32
    %dma_wait3A_19 = tpu.memref_slice %arg4[%dma_wait3A_14, %mul3A_2, %dma_wait3A_18] : memref<50x16384x32xf32, #tpu.memory_space<hbm>> -> memref<1x512x32xf32, #tpu.memory_space<hbm>>
    %dma_wait3A_20 = tpu.memref_squeeze %dma_wait3A_19 : memref<1x512x32xf32, #tpu.memory_space<hbm>> -> memref<512x32xf32, #tpu.memory_space<hbm>>
    tpu.wait_dma2 semaphore(%arg14 : memref<!tpu.dma_semaphore, #tpu.memory_space<semaphore_mem>>) src(%arg6 : memref<512x32xf32, #tpu.memory_space<vmem>>) dst(%dma_wait3A_20 : memref<512x32xf32, #tpu.memory_space<hbm>>)
    %dma_start3A_21 = arith.constant 48 : i32
    %dma_start3A_22 = arith.constant 0 : i32
    %dma_start3A_23 = tpu.memref_slice %arg5[%dma_start3A_21, %dma_start3A_22] : memref<50x512xi32, #tpu.memory_space<vmem>> -> memref<1x512xi32, #tpu.memory_space<vmem>>
    %dma_start3A_24 = tpu.memref_squeeze %dma_start3A_23 : memref<1x512xi32, #tpu.memory_space<vmem>> -> memref<512xi32, #tpu.memory_space<vmem>>
    %dma_start3A_25 = arith.constant 0 : i32
    %dma_start3A_26 = arith.constant 0 : i32
    %dma_start3A_27 = tpu.memref_slice %arg3[%dma_start3A_25, %dma_start3A_26] : memref<1000000x32xf32, #tpu.memory_space<hbm>> -> memref<1000000x32xf32, #tpu.memory_space<hbm>>
    tpu.enqueue_indirect_dma source(%dma_start3A_27 : memref<1000000x32xf32, #tpu.memory_space<hbm>>) target(%arg6 : memref<512x32xf32, #tpu.memory_space<vmem>>) offsets(%dma_start3A_24 : memref<512xi32, #tpu.memory_space<vmem>>) semaphore(%arg10 : memref<!tpu.dma_semaphore, #tpu.memory_space<semaphore_mem>>)
    %dma_wait3A_28 = arith.constant 48 : i32
    %dma_wait3A_29 = arith.constant 0 : i32
    %dma_wait3A_30 = tpu.memref_slice %arg5[%dma_wait3A_28, %dma_wait3A_29] : memref<50x512xi32, #tpu.memory_space<vmem>> -> memref<1x512xi32, #tpu.memory_space<vmem>>
    %dma_wait3A_31 = tpu.memref_squeeze %dma_wait3A_30 : memref<1x512xi32, #tpu.memory_space<vmem>> -> memref<512xi32, #tpu.memory_space<vmem>>
    %dma_wait3A_32 = arith.constant 0 : i32
    %dma_wait3A_33 = arith.constant 0 : i32
    %dma_wait3A_34 = tpu.memref_slice %arg3[%dma_wait3A_32, %dma_wait3A_33] : memref<1000000x32xf32, #tpu.memory_space<hbm>> -> memref<1000000x32xf32, #tpu.memory_space<hbm>>
    tpu.wait_indirect_dma semaphore(%arg13 : memref<!tpu.dma_semaphore, #tpu.memory_space<semaphore_mem>>) src(%dma_wait3A_34 : memref<1000000x32xf32, #tpu.memory_space<hbm>>) dst(%arg9 : memref<512x32xf32, #tpu.memory_space<vmem>>)
    %dma_start3A_35 = arith.constant 47 : i32
    %dma_start3A_36 = arith.constant 0 : i32
    %dma_start3A_37 = tpu.memref_slice %arg4[%dma_start3A_35, %mul3A_2, %dma_start3A_36] : memref<50x16384x32xf32, #tpu.memory_space<hbm>> -> memref<1x512x32xf32, #tpu.memory_space<hbm>>
    %dma_start3A_38 = tpu.memref_squeeze %dma_start3A_37 : memref<1x512x32xf32, #tpu.memory_space<hbm>> -> memref<512x32xf32, #tpu.memory_space<hbm>>
    %dma_start3A_39 = arith.constant 0 : i32
    %dma_start3A_40 = tpu.memref_slice %arg4[%dma_start3A_35, %mul3A_2, %dma_start3A_39] : memref<50x16384x32xf32, #tpu.memory_space<hbm>> -> memref<1x512x32xf32, #tpu.memory_space<hbm>>
    %dma_start3A_41 = tpu.memref_squeeze %dma_start3A_40 : memref<1x512x32xf32, #tpu.memory_space<hbm>> -> memref<512x32xf32, #tpu.memory_space<hbm>>
    tpu.enqueue_dma source(%arg9 : memref<512x32xf32, #tpu.memory_space<vmem>>) target(%dma_start3A_41 : memref<512x32xf32, #tpu.memory_space<hbm>>) target_semaphore(%arg17 : memref<!tpu.dma_semaphore, #tpu.memory_space<semaphore_mem>>)
    %dma_wait3A_42 = arith.constant 49 : i32
    %dma_wait3A_43 = arith.constant 0 : i32
    %dma_wait3A_44 = tpu.memref_slice %arg4[%dma_wait3A_42, %mul3A_2, %dma_wait3A_43] : memref<50x16384x32xf32, #tpu.memory_space<hbm>> -> memref<1x512x32xf32, #tpu.memory_space<hbm>>
    %dma_wait3A_45 = tpu.memref_squeeze %dma_wait3A_44 : memref<1x512x32xf32, #tpu.memory_space<hbm>> -> memref<512x32xf32, #tpu.memory_space<hbm>>
    %dma_wait3A_46 = arith.constant 0 : i32
    %dma_wait3A_47 = tpu.memref_slice %arg4[%dma_wait3A_42, %mul3A_2, %dma_wait3A_46] : memref<50x16384x32xf32, #tpu.memory_space<hbm>> -> memref<1x512x32xf32, #tpu.memory_space<hbm>>
    %dma_wait3A_48 = tpu.memref_squeeze %dma_wait3A_47 : memref<1x512x32xf32, #tpu.memory_space<hbm>> -> memref<512x32xf32, #tpu.memory_space<hbm>>
    tpu.wait_dma2 semaphore(%arg15 : memref<!tpu.dma_semaphore, #tpu.memory_space<semaphore_mem>>) src(%arg7 : memref<512x32xf32, #tpu.memory_space<vmem>>) dst(%dma_wait3A_48 : memref<512x32xf32, #tpu.memory_space<hbm>>)
    %dma_start3A_49 = arith.constant 49 : i32
    %dma_start3A_50 = arith.constant 0 : i32
    %dma_start3A_51 = tpu.memref_slice %arg5[%dma_start3A_49, %dma_start3A_50] : memref<50x512xi32, #tpu.memory_space<vmem>> -> memref<1x512xi32, #tpu.memory_space<vmem>>
    %dma_start3A_52 = tpu.memref_squeeze %dma_start3A_51 : memref<1x512xi32, #tpu.memory_space<vmem>> -> memref<512xi32, #tpu.memory_space<vmem>>
    %dma_start3A_53 = arith.constant 0 : i32
    %dma_start3A_54 = arith.constant 0 : i32
    %dma_start3A_55 = tpu.memref_slice %arg3[%dma_start3A_53, %dma_start3A_54] : memref<1000000x32xf32, #tpu.memory_space<hbm>> -> memref<1000000x32xf32, #tpu.memory_space<hbm>>
    tpu.enqueue_indirect_dma source(%dma_start3A_55 : memref<1000000x32xf32, #tpu.memory_space<hbm>>) target(%arg7 : memref<512x32xf32, #tpu.memory_space<vmem>>) offsets(%dma_start3A_52 : memref<512xi32, #tpu.memory_space<vmem>>) semaphore(%arg11 : memref<!tpu.dma_semaphore, #tpu.memory_space<semaphore_mem>>)
    %dma_wait3A_56 = arith.constant 49 : i32
    %dma_wait3A_57 = arith.constant 0 : i32
    %dma_wait3A_58 = tpu.memref_slice %arg5[%dma_wait3A_56, %dma_wait3A_57] : memref<50x512xi32, #tpu.memory_space<vmem>> -> memref<1x512xi32, #tpu.memory_space<vmem>>
    %dma_wait3A_59 = tpu.memref_squeeze %dma_wait3A_58 : memref<1x512xi32, #tpu.memory_space<vmem>> -> memref<512xi32, #tpu.memory_space<vmem>>
    %dma_wait3A_60 = arith.constant 0 : i32
    %dma_wait3A_61 = arith.constant 0 : i32
    %dma_wait3A_62 = tpu.memref_slice %arg3[%dma_wait3A_60, %dma_wait3A_61] : memref<1000000x32xf32, #tpu.memory_space<hbm>> -> memref<1000000x32xf32, #tpu.memory_space<hbm>>
    tpu.wait_indirect_dma semaphore(%arg10 : memref<!tpu.dma_semaphore, #tpu.memory_space<semaphore_mem>>) src(%dma_wait3A_62 : memref<1000000x32xf32, #tpu.memory_space<hbm>>) dst(%arg6 : memref<512x32xf32, #tpu.memory_space<vmem>>)
    %dma_start3A_63 = arith.constant 48 : i32
    %dma_start3A_64 = arith.constant 0 : i32
    %dma_start3A_65 = tpu.memref_slice %arg4[%dma_start3A_63, %mul3A_2, %dma_start3A_64] : memref<50x16384x32xf32, #tpu.memory_space<hbm>> -> memref<1x512x32xf32, #tpu.memory_space<hbm>>
    %dma_start3A_66 = tpu.memref_squeeze %dma_start3A_65 : memref<1x512x32xf32, #tpu.memory_space<hbm>> -> memref<512x32xf32, #tpu.memory_space<hbm>>
    %dma_start3A_67 = arith.constant 0 : i32
    %dma_start3A_68 = tpu.memref_slice %arg4[%dma_start3A_63, %mul3A_2, %dma_start3A_67] : memref<50x16384x32xf32, #tpu.memory_space<hbm>> -> memref<1x512x32xf32, #tpu.memory_space<hbm>>
    %dma_start3A_69 = tpu.memref_squeeze %dma_start3A_68 : memref<1x512x32xf32, #tpu.memory_space<hbm>> -> memref<512x32xf32, #tpu.memory_space<hbm>>
    tpu.enqueue_dma source(%arg6 : memref<512x32xf32, #tpu.memory_space<vmem>>) target(%dma_start3A_69 : memref<512x32xf32, #tpu.memory_space<hbm>>) target_semaphore(%arg14 : memref<!tpu.dma_semaphore, #tpu.memory_space<semaphore_mem>>)
    %dma_wait3A_70 = arith.constant 49 : i32
    %dma_wait3A_71 = arith.constant 0 : i32
    %dma_wait3A_72 = tpu.memref_slice %arg5[%dma_wait3A_70, %dma_wait3A_71] : memref<50x512xi32, #tpu.memory_space<vmem>> -> memref<1x512xi32, #tpu.memory_space<vmem>>
    %dma_wait3A_73 = tpu.memref_squeeze %dma_wait3A_72 : memref<1x512xi32, #tpu.memory_space<vmem>> -> memref<512xi32, #tpu.memory_space<vmem>>
    %dma_wait3A_74 = arith.constant 0 : i32
    %dma_wait3A_75 = arith.constant 0 : i32
    %dma_wait3A_76 = tpu.memref_slice %arg3[%dma_wait3A_74, %dma_wait3A_75] : memref<1000000x32xf32, #tpu.memory_space<hbm>> -> memref<1000000x32xf32, #tpu.memory_space<hbm>>
    tpu.wait_indirect_dma semaphore(%arg11 : memref<!tpu.dma_semaphore, #tpu.memory_space<semaphore_mem>>) src(%dma_wait3A_76 : memref<1000000x32xf32, #tpu.memory_space<hbm>>) dst(%arg7 : memref<512x32xf32, #tpu.memory_space<vmem>>)
    %dma_start3A_77 = arith.constant 49 : i32
    %dma_start3A_78 = arith.constant 0 : i32
    %dma_start3A_79 = tpu.memref_slice %arg4[%dma_start3A_77, %mul3A_2, %dma_start3A_78] : memref<50x16384x32xf32, #tpu.memory_space<hbm>> -> memref<1x512x32xf32, #tpu.memory_space<hbm>>
    %dma_start3A_80 = tpu.memref_squeeze %dma_start3A_79 : memref<1x512x32xf32, #tpu.memory_space<hbm>> -> memref<512x32xf32, #tpu.memory_space<hbm>>
    %dma_start3A_81 = arith.constant 0 : i32
    %dma_start3A_82 = tpu.memref_slice %arg4[%dma_start3A_77, %mul3A_2, %dma_start3A_81] : memref<50x16384x32xf32, #tpu.memory_space<hbm>> -> memref<1x512x32xf32, #tpu.memory_space<hbm>>
    %dma_start3A_83 = tpu.memref_squeeze %dma_start3A_82 : memref<1x512x32xf32, #tpu.memory_space<hbm>> -> memref<512x32xf32, #tpu.memory_space<hbm>>
    tpu.enqueue_dma source(%arg7 : memref<512x32xf32, #tpu.memory_space<vmem>>) target(%dma_start3A_83 : memref<512x32xf32, #tpu.memory_space<hbm>>) target_semaphore(%arg15 : memref<!tpu.dma_semaphore, #tpu.memory_space<semaphore_mem>>)
    %dma_wait3A_84 = arith.constant 46 : i32
    %dma_wait3A_85 = arith.constant 0 : i32
    %dma_wait3A_86 = tpu.memref_slice %arg4[%dma_wait3A_84, %mul3A_2, %dma_wait3A_85] : memref<50x16384x32xf32, #tpu.memory_space<hbm>> -> memref<1x512x32xf32, #tpu.memory_space<hbm>>
    %dma_wait3A_87 = tpu.memref_squeeze %dma_wait3A_86 : memref<1x512x32xf32, #tpu.memory_space<hbm>> -> memref<512x32xf32, #tpu.memory_space<hbm>>
    %dma_wait3A_88 = arith.constant 0 : i32
    %dma_wait3A_89 = tpu.memref_slice %arg4[%dma_wait3A_84, %mul3A_2, %dma_wait3A_88] : memref<50x16384x32xf32, #tpu.memory_space<hbm>> -> memref<1x512x32xf32, #tpu.memory_space<hbm>>
    %dma_wait3A_90 = tpu.memref_squeeze %dma_wait3A_89 : memref<1x512x32xf32, #tpu.memory_space<hbm>> -> memref<512x32xf32, #tpu.memory_space<hbm>>
    tpu.wait_dma2 semaphore(%arg16 : memref<!tpu.dma_semaphore, #tpu.memory_space<semaphore_mem>>) src(%arg8 : memref<512x32xf32, #tpu.memory_space<vmem>>) dst(%dma_wait3A_90 : memref<512x32xf32, #tpu.memory_space<hbm>>)
    %dma_wait3A_91 = arith.constant 47 : i32
    %dma_wait3A_92 = arith.constant 0 : i32
    %dma_wait3A_93 = tpu.memref_slice %arg4[%dma_wait3A_91, %mul3A_2, %dma_wait3A_92] : memref<50x16384x32xf32, #tpu.memory_space<hbm>> -> memref<1x512x32xf32, #tpu.memory_space<hbm>>
    %dma_wait3A_94 = tpu.memref_squeeze %dma_wait3A_93 : memref<1x512x32xf32, #tpu.memory_space<hbm>> -> memref<512x32xf32, #tpu.memory_space<hbm>>
    %dma_wait3A_95 = arith.constant 0 : i32
    %dma_wait3A_96 = tpu.memref_slice %arg4[%dma_wait3A_91, %mul3A_2, %dma_wait3A_95] : memref<50x16384x32xf32, #tpu.memory_space<hbm>> -> memref<1x512x32xf32, #tpu.memory_space<hbm>>
    %dma_wait3A_97 = tpu.memref_squeeze %dma_wait3A_96 : memref<1x512x32xf32, #tpu.memory_space<hbm>> -> memref<512x32xf32, #tpu.memory_space<hbm>>
    tpu.wait_dma2 semaphore(%arg17 : memref<!tpu.dma_semaphore, #tpu.memory_space<semaphore_mem>>) src(%arg9 : memref<512x32xf32, #tpu.memory_space<vmem>>) dst(%dma_wait3A_97 : memref<512x32xf32, #tpu.memory_space<hbm>>)
    %dma_wait3A_98 = arith.constant 48 : i32
    %dma_wait3A_99 = arith.constant 0 : i32
    %dma_wait3A_100 = tpu.memref_slice %arg4[%dma_wait3A_98, %mul3A_2, %dma_wait3A_99] : memref<50x16384x32xf32, #tpu.memory_space<hbm>> -> memref<1x512x32xf32, #tpu.memory_space<hbm>>
    %dma_wait3A_101 = tpu.memref_squeeze %dma_wait3A_100 : memref<1x512x32xf32, #tpu.memory_space<hbm>> -> memref<512x32xf32, #tpu.memory_space<hbm>>
    %dma_wait3A_102 = arith.constant 0 : i32
    %dma_wait3A_103 = tpu.memref_slice %arg4[%dma_wait3A_98, %mul3A_2, %dma_wait3A_102] : memref<50x16384x32xf32, #tpu.memory_space<hbm>> -> memref<1x512x32xf32, #tpu.memory_space<hbm>>
    %dma_wait3A_104 = tpu.memref_squeeze %dma_wait3A_103 : memref<1x512x32xf32, #tpu.memory_space<hbm>> -> memref<512x32xf32, #tpu.memory_space<hbm>>
    tpu.wait_dma2 semaphore(%arg14 : memref<!tpu.dma_semaphore, #tpu.memory_space<semaphore_mem>>) src(%arg6 : memref<512x32xf32, #tpu.memory_space<vmem>>) dst(%dma_wait3A_104 : memref<512x32xf32, #tpu.memory_space<hbm>>)
    %dma_wait3A_105 = arith.constant 49 : i32
    %dma_wait3A_106 = arith.constant 0 : i32
    %dma_wait3A_107 = tpu.memref_slice %arg4[%dma_wait3A_105, %mul3A_2, %dma_wait3A_106] : memref<50x16384x32xf32, #tpu.memory_space<hbm>> -> memref<1x512x32xf32, #tpu.memory_space<hbm>>
    %dma_wait3A_108 = tpu.memref_squeeze %dma_wait3A_107 : memref<1x512x32xf32, #tpu.memory_space<hbm>> -> memref<512x32xf32, #tpu.memory_space<hbm>>
    %dma_wait3A_109 = arith.constant 0 : i32
    %dma_wait3A_110 = tpu.memref_slice %arg4[%dma_wait3A_105, %mul3A_2, %dma_wait3A_109] : memref<50x16384x32xf32, #tpu.memory_space<hbm>> -> memref<1x512x32xf32, #tpu.memory_space<hbm>>
    %dma_wait3A_111 = tpu.memref_squeeze %dma_wait3A_110 : memref<1x512x32xf32, #tpu.memory_space<hbm>> -> memref<512x32xf32, #tpu.memory_space<hbm>>
    tpu.wait_dma2 semaphore(%arg15 : memref<!tpu.dma_semaphore, #tpu.memory_space<semaphore_mem>>) src(%arg7 : memref<512x32xf32, #tpu.memory_space<vmem>>) dst(%dma_wait3A_111 : memref<512x32xf32, #tpu.memory_space<hbm>>)
    return
  }
}

</mosaic_0001>

<sc_bundles>
// kernel: kernel.3.cloned.1.call-start
scs
__scs_entry_jumppad:
0x0: {  	(pc) =	sbr.rel $0x88, $3  }
0x1: {  	(tag) =	ssettag $0x0;
	lr =	simm.s32 $0x1  }
0x2: {  	[smem:$0x3F9F] =	sst lr;
	_ =	strace $0xD0000000  }
0x3: {  	_ = 	snop  }
0x4: {  	_ = 	snop  }
0x5: {  	_ = 	snop  }
0x6: {  	_ = 	snop  }
0x7: {  	_ = 	snop  }
__scs_overlays_trampoline_lowered:
0x8: {  	[smem:$0x3FAE] =	sst s0  }
0x9: {  	[smem:$0x3FAF] =	sst s1  }
0xa: {  	[smem:$0x3FB0] =	sst s2  }
0xb: {  	[smem:$0x3FB1] =	sst s3  }
0xc: {  	[smem:$0x3FB2] =	sst s4  }
0xd: {  	[smem:$0x3FB3] =	sst s5  }
0xe: {  	[smem:$0x3FB4] =	sst s6  }
0xf: {  	[smem:$0x3FB5] =	sst s7  }
0x10: {  	[smem:$0x3FB6] =	sst s8  }
0x11: {  	[smem:$0x3FB7] =	sst s9;
	s0 =	simm.s32 @!p0 $0x0  }
0x12: {  	s1 =	sld [smem:$0x3F9D];
	s0 =	simm.s32 @p0 $0x1  }
0x13: {  	[smem:$0x3FB8] =	sst s0;
	s0 =	simm.s32 @!p1 $0x0  }
0x14: {  	s2 =	sld [smem:$0x3F9C];
	s0 =	simm.s32 @p1 $0x1  }
0x15: {  	[smem:$0x3FB9] =	sst s0;
	s0 =	simm.s32 @!p2 $0x0  }
0x16: {  	s3 =	sld [smem:$0x3FDB];
	s0 =	simm.s32 @p2 $0x1  }
0x17: {  	s4 =	simm.s32 $0x1BF5;
	[smem:$0x3FBB] =	sst s0  }
0x18: {  	s0 =	sld [smem:$0x3F9E];
	_ =	swait.ge [sflag:s4], $0x0  }
0x19: {  	s7 =	sld [smem:$0x3F9F]  }
0x1a: {  	s8 =	sadd.s32 $0xFFFFE003, lr  }
0x1b: {  	s9 =	sadd.s32 $0xFFFFFEF7, lr;
	s5 =	simm.s32 $0xFFFFFFFF;
	p2 =	slt.u32 s8, $0xFFFFF086  }
0x1c: {  	p1 =	slt.u32 s9, $0xF7A;
	s5 =	simm.s32 @!p2 $0x0  }
0x1d: {  	s5 =	simm.s32 @p1 $0x1;
	p0 =	seq.s32 s7, s2  }
0x1e: {  	s7 =	smul.u32 @!p0 $0xF7A, s2;
	p2 =	seq.s32 @!p0 s5, $0x0  }
0x1f: {  	s9 =	smul.u32 $0xF7A, s1;
	s8 =	simm.s32 @!p0 $0x1BF5;
	p2 =	por !p2, p0  }
0x20: {  	[sflag:s8] =	ssyncset.s32 @!p0 $0xFFFFF086;
	s6 =	sadd.s32 @!p0 s3, s7;
	s7 =	simm.s32 @!p0 $0x108  }
0x21: {  	s3 =	sadd.s32 s3, s9;
	s6 =	sadd.s32 @!p0 $0x88, s6;
	s7 =	simm.s32 @p2 $0x1082  }
0x22: {  	[simem:s7], [sflag:s8] =	dma.local @!p0 [hbm:s6], $0xF7A  }
0x23: {  	s9 =	sor.u32 $0xD0000000, s2;
	s6 =	simm.s32 $0x108;
	_ =	swait.ge @!p0 [sflag:s8], $0x0  }
0x24: {  	s3 =	sadd.s32 $0x88, s3;
	s6 =	simm.s32 @!p1 $0x1082;
	[sflag:s4] =	ssyncset.s32 $0xFFFFF086  }
0x25: {  	[simem:s6], [sflag:s4] =	dma.local [hbm:s3], $0xF7A  }
0x26: {  	[smem:$0x3F9F] =	sst s1;
	(tag) =	ssettag s2;
	_ =	strace s9  }
0x27: {  	s1 =	sld [smem:$0x3FAF]  }
0x28: {  	s2 =	sld [smem:$0x3FB0]  }
0x29: {  	s4 =	sld [smem:$0x3FB2]  }
0x2a: {  	p0 =	seq.s32 s5, $0x0;
	s5 =	sld [smem:$0x3FB3]  }
0x2b: {  	s6 =	sld [smem:$0x3FB4]  }
0x2c: {  	s7 =	sld [smem:$0x3FB5]  }
0x2d: {  	s3 =	simm.s32 $0x108;
	s8 =	sld [smem:$0x3FB6]  }
0x2e: {  	s3 =	simm.s32 @!p0 $0x1082;
	s9 =	sld [smem:$0x3FB7]  }
0x2f: {  	lr =	sadd.s32 s0, s3;
	s0 =	sld [smem:$0x3FAE]  }
0x30: {  	s3 =	sld [smem:$0x3FB1]  }
0x31: {  	[smem:$0x3FBA] =	sst s10  }
0x32: {  	s10 =	sld [smem:$0x3FB8];
	_ =	sdelay $0x3  }
0x33: {  	p0 =	seq.s32 s10, $0x1;
	s10 =	sld [smem:$0x3FBA];
	_ =	sdelay $0x3  }
0x34: {  	[smem:$0x3FBA] =	sst s10  }
0x35: {  	s10 =	sld [smem:$0x3FB9];
	_ =	sdelay $0x3  }
0x36: {  	p1 =	seq.s32 s10, $0x1;
	s10 =	sld [smem:$0x3FBA];
	_ =	sdelay $0x3  }
0x37: {  	[smem:$0x3FBA] =	sst s10  }
0x38: {  	s10 =	sld [smem:$0x3FBB]  }
0x39: {  	_ = 	snop;
	(pc) =	sbr.ind lr, $3  }
0x3a: {  	_ = 	snop  }
0x3b: {  	_ = 	snop  }
0x3c: {  	p2 =	seq.s32 s10, $0x1;
	s10 =	sld [smem:$0x3FBA]  }
0x3d: {  	_ =	shalt  }
0x3e: {  	_ =	shalt  }
0x3f: {  	_ =	shalt  }
0x40: {  	_ =	shalt  }
0x41: {  	_ =	shalt  }
0x42: {  	_ =	shalt  }
0x43: {  	_ =	shalt  }
0x44: {  	_ =	shalt  }
0x45: {  	_ =	shalt  }
0x46: {  	_ =	shalt  }
0x47: {  	_ =	shalt  }
0x48: {  	_ =	shalt  }
0x49: {  	_ =	shalt  }
0x4a: {  	_ =	shalt  }
0x4b: {  	_ =	shalt  }
0x4c: {  	_ =	shalt  }
0x4d: {  	_ =	shalt  }
0x4e: {  	_ =	shalt  }
0x4f: {  	_ =	shalt  }
0x50: {  	_ =	shalt  }
0x51: {  	_ =	shalt  }
0x52: {  	_ =	shalt  }
0x53: {  	_ =	shalt  }
0x54: {  	_ =	shalt  }
0x55: {  	_ =	shalt  }
0x56: {  	_ =	shalt  }
0x57: {  	_ =	shalt  }
0x58: {  	_ =	shalt  }
0x59: {  	_ =	shalt  }
0x5a: {  	_ =	shalt  }
0x5b: {  	_ =	shalt  }
0x5c: {  	_ =	shalt  }
0x5d: {  	_ =	shalt  }
0x5e: {  	_ =	shalt  }
0x5f: {  	_ =	shalt  }
0x60: {  	_ =	shalt  }
0x61: {  	_ =	shalt  }
0x62: {  	_ =	shalt  }
0x63: {  	_ =	shalt  }
0x64: {  	_ =	shalt  }
0x65: {  	_ =	shalt  }
0x66: {  	_ =	shalt  }
0x67: {  	_ =	shalt  }
0x68: {  	_ =	shalt  }
0x69: {  	_ =	shalt  }
0x6a: {  	_ =	shalt  }
0x6b: {  	_ =	shalt  }
0x6c: {  	_ =	shalt  }
0x6d: {  	_ =	shalt  }
0x6e: {  	_ =	shalt  }
0x6f: {  	_ =	shalt  }
0x70: {  	_ =	shalt  }
0x71: {  	_ =	shalt  }
0x72: {  	_ =	shalt  }
0x73: {  	_ =	shalt  }
0x74: {  	_ =	shalt  }
0x75: {  	_ =	shalt  }
0x76: {  	_ =	shalt  }
0x77: {  	_ =	shalt  }
0x78: {  	_ =	shalt  }
0x79: {  	_ =	shalt  }
0x7a: {  	_ =	shalt  }
0x7b: {  	_ =	shalt  }
0x7c: {  	_ =	shalt  }
0x7d: {  	_ =	shalt  }
0x7e: {  	_ =	shalt  }
0x7f: {  	_ =	shalt  }
0x80: {  	_ =	shalt  }
0x81: {  	_ =	shalt  }
0x82: {  	_ =	shalt  }
0x83: {  	_ =	shalt  }
0x84: {  	_ =	shalt  }
0x85: {  	_ =	shalt  }
0x86: {  	_ =	shalt  }
0x87: {  	_ =	shalt  }
.Lfunc_end0:
.L_simem_size_0:
called_computation.1_lowered:
.L_overlay_start_0:
0x88: {  	s2 =	sld [smem:$0x3FD9]  }
0x89: {  	s3 =	sld [smem:$0x3FFE];
	_ =	sdelay $0x1  }
0x8a: {  	s1 =	srdreg.scid  }
0x8b: {  	s0 =	sand.u32 $0x1, s1  }
0x8c: {  	s17 =	sshll.u32 s0, $0xA;
	s2 =	sadd.s32 s3, s2  }
0x8d: {  	s2 =	sadd.s32 s2, s17  }
0x8e: {  	[smem:$0x3FC6] =	sst s2  }
0x8f: {  	_ = 	snop  }
0x90: {  	s2 =	sld [smem:$0x3FD0];
	(tm) =	ssettm $0x1  }
0x91: {  	s18 =	sld [smem:$0x3FFB];
	_ =	sdelay $0x3  }
0x92: {  	_ =	strace s18  }
0x93: {  	s3 =	sld [smem:$0x3FFC];
	_ =	sdelay $0x3  }
0x94: {  	_ =	strace s3  }
0x95: {  	s3 =	sld [smem:$0x3FFD];
	_ =	sdelay $0x3  }
0x96: {  	_ =	strace s3  }
0x97: {  	_ =	strace $0x8FFFFFFF  }
0x98: {  	s19 =	sld [smem:$0x3FDB];
	_ =	sdelay $0x1  }
0x99: {  	s4 =	simm.s32 $_scs_section_size  }
0x9a: {  	s5 =	simm.s32 $_size__tile_overlayer_lowered;
	s6 =	simm.s32 $_tile_overlayer_lowered  }
0x9b: {  	s22 =	simm.s32 $0x1BFF;
	s21 =	sshll.u32 s6, $0x1;
	s3 =	sadd.s32 s4, s19  }
0x9c: {  	s7 =	simm.s32 $0x0;
	s20 =	sshll.u32 s5, $0x1;
	s5 =	sadd.s32 s21, s3  }
0x9d: {  	[timem:s7], [sflag:s22] =	dma.local [hbm:s5], s20  }
0x9e: {  	_ =	swait.ge [sflag:s22], s20  }
0x9f: {  	s4 =	ssub.s32 $0x0, s20;
	[sflag:s22] =	ssyncset.done $0x0  }
0xa0: {  	[sflag:s22] =	ssyncadd.s32 s4;
	_ =	sdelay $0x1  }
0xa1: {  	s23 =	simm.s32 $0x1B8B  }
0xa2: {  	_ =	swait.ge [sflag:s23], $0x1  }
0xa3: {  	[sflag:s23] =	ssyncset.done $0x0  }
0xa4: {  	s25 =	simm.s32 $0x1B8E;
	s24 =	sld [smem:$0x3FFE];
	[sflag:s23] =	ssyncadd.s32 $0xFFFFFFFF  }
0xa5: {  	s26 =	simm.s32 $execute0_lowered;
	[smem:$0x3FD2] =	sst s25  }
0xa6: {  	s5 =	sshll.u32 s26, $0x1;
	_ =	strace $0x80000046;
	[dreg:$0x1] =	wrdreg $0xFFFFFFFF  }
0xa7: {  	s28 =	simm.s32 $_size_execute0_lowered;
	s3 =	sadd.s32 s3, s5;
	[dreg:$0x0] =	wrdreg $0x0  }
0xa8: {  	s5 =	sshll.u32 s28, $0x1;
	[dreg:$0x2] =	wrdreg s3  }
0xa9: {  	[dreg:$0x3] =	wrdreg s5  }
0xaa: {  	[dreg:$0x4] =	wrdreg $0xC0  }
0xab: {  	_ =	task [dreg:s7], $0x5FFFF  }
0xac: {  	[dreg:$0x1] =	wrdreg $0xFFFFFFFF  }
0xad: {  	[dreg:$0x0] =	wrdreg $0x60  }
0xae: {  	[dreg:$0x2] =	wrdreg s24  }
0xaf: {  	[dreg:$0x3] =	wrdreg s2  }
0xb0: {  	[dreg:$0x4] =	wrdreg $0x9  }
0xb1: {  	_ =	task.clear_ibuf [dreg:s7], $0x5FFFF;
	_ =	strace $0x90000046  }
0xb2: {  	s29 =	simm.s32 $0x9;
	_ =	strace $0x80000048  }
0xb3: {  	_ =	swait.ge [sflag:s29], $0x1  }
0xb4: {  	[sflag:s29] =	ssyncadd.s32 $0xFFFFFFFF  }
0xb5: {  	_ =	strace $0x90000048  }
0xb6: {  	_ =	sfence  }
0xb7: {  	s30 =	sld [smem:$0x0];
	_ =	sdelay $0x2  }
0xb8: {  	s31 =	sshll.u32 s1, $0xD;
	s1 =	sshrl.u32 s1, $0x2  }
0xb9: {  	s3 =	sand.u32 $0x4000, s31;
	s1 =	sadd.s32 s1, s30  }
0xba: {  	s0 =	sor.u32 s3, s0;
	s1 =	sshll.u32 s1, $0x11  }
0xbb: {  	s0 =	sor.u32 s1, s0  }
0xbc: {  	s0 =	sadd.s32 $0x8F2B, s0  }
0xbd: {  	[sflag:s0] =	ssyncadd.remote.s32 $0x1  }
0xbe: {  	_ =	sfence.sel $0xFFFF  }
0xbf: {  	[dreg:$0x0] =	wrdreg $0xFFFFFFFF;
	(pc) =	sbr.abs _section_cstart, $3  }
0xc0: {  	[dreg:$0x1] =	wrdreg $0xFFFFFFFF  }
0xc1: {  	_ =	task.clear_ibuf [dreg:s7], $0x2FFFF;
	_ =	strace $0x9FFFFFFF  }
0xc2: {  	(tm) =	ssettm $0x7FFFFFFF  }
0xc3: {  	_ =	shalt  }
tec
execute0_lowered:
.L_overlay_start_1:
0x0: {  	(tag) =	ssettag $0x1  }
0x1: {  	s0 =	srdreg.scid  }
0x2: {  	s1 =	rddreg [dreg:$0x0];
	s12 =	stileid.u32  }
0x3: {  	s13 =	rddreg [dreg:$0x1];
	s2 =	simm.s32 $0x0;
	s16 =	simm.s32 $0x9  }
0x4: {  	s17 =	simm.s32 $0x6400;
	s18 =	simm.s32 $0xA400;
	s19 =	simm.s32 $0x1  }
0x5: {  	s21 =	simm.s32 $0xE400;
	s22 =	simm.s32 $0x2;
	s28 =	simm.s32 $0x4  }
0x6: {  	s29 =	simm.s32 $0x6;
	s30 =	simm.s32 $0x7;
	s31 =	simm.s32 $0x8  }
0x7: {  	s15 =	simm.s32 $0x0;
	s0 =	sand.u32 $0x1, s0;
	s3 =	sshll.u32 s12, $0xA  }
0x8: {  	[smem:$0x7FF] =	sst s2;
	s9 =	sshll.u32 s12, $0xF;
	s14 =	sshll.u32 s12, $0xC  }
0x9: {  	s4 =	sshll.u32 s0, $0x9;
	_ =	strace $0x80000047;
	s6 =	ssub.s32 $0x2, s0  }
0xa: {  	s10 =	sshll.u32 s0, $0xE;
	s26 =	sadd.s32 s14, s13;
	s0 =	sshll.u32 s0, $0xB  }
0xb: {  	s14 =	simm.s32 $0x200;
	s4 =	sor.u32 s4, s3;
	s24 =	sshrl.u32 s6, $0x1  }
0xc: {  	s11 =	sor.u32 s10, s9;
	s3 =	sshrl.u32 s4, $0x3;
	s7 =	sshll.u32 s4, $0x2  }
0xd: {  	s25 =	sor.u32 $0x180000, s11;
	s5 =	sadd.s32 s3, s1;
	s3 =	sadd.s32 $0xF42E00, s1  }
0xe: {  	s1 =	ssub.s32 s6, s24;
	s24 =	simm.s32 $0x12400;
	s4 =	sadd.s32 $0xA00, s5  }
0xf: {  	s5 =	sadd.s32 s13, s7;
	s9 =	smax.u32 s1, $0x1;
	s1 =	sshrl.u32 s25, $0x3  }
0x10: {  	s25 =	simm.s32 $0x3;
	s6 =	sadd.s32 $0x300000, s5;
	s7 =	sadd.s32 $0x2F0000, s5  }
0x11: {  	s8 =	sadd.s32 $0x310000, s5;
	s10 =	sadd.s32 $0x10000, s5;
	s11 =	sadd.s32 $0x20000, s5  }
0x12: {  	s12 =	sadd.s32 s1, s13;
	s13 =	sadd.s32 s0, s26;
	s26 =	simm.s32 $0x5  }
.LBB2_1:
0x13: {  	s0 =	simm.s32 $0x4000  }
0x14: {  	[tilespmem:s2], [sflag:$0x9] =	stream.strided.gather [hbm4b:s4+s14], $0x6400, s0, s14, $0x38;
	[tilespmem:$0x16400] =	vst v63  }
0x15: {  	_ =	swait.ge [sflag:s16], $0x6400  }
0x16: {  	[sflag:s16] =	ssyncset.done $0x0  }
0x17: {  	[sflag:s16] =	ssyncadd.s32 $0xFFFF9C00  }
0x18: {  	[tilespmem:s17], [sflag:$0x1] =	stream.indirect.gather [hbm4b:s3+s14], $0x20, s2, s14, $0xb8;
	[tilespmem:$0x16400] =	vst v63  }
0x19: {  	_ = 	snop  }
0x1a: {  	[tilespmem:s18], [sflag:$0x2] =	stream.indirect.gather [hbm4b:s3+s14], $0x20, s14, s14, $0xb8;
	[tilespmem:$0x16400] =	vst v63  }
0x1b: {  	_ =	swait.ge [sflag:s19], $0x4000  }
0x1c: {  	[sflag:s19] =	ssyncset.done $0x0  }
0x1d: {  	[sflag:s19] =	ssyncadd.s32 $0xFFFFC000  }
0x1e: {  	[hbm4b:s5+s2] =	stream.linear.scatter [tilespmem:s17], [sflag:$0x5], $0x4000, $0x38;
	[tilespmem:$0x16400] =	vst v63  }
0x1f: {  	s20 =	simm.s32 $0x400  }
0x20: {  	[tilespmem:s21], [sflag:$0x3] =	stream.indirect.gather [hbm4b:s3+s14], $0x20, s20, s14, $0xb8;
	[tilespmem:$0x16400] =	vst v63  }
0x21: {  	_ =	swait.ge [sflag:s22], $0x4000  }
0x22: {  	[sflag:s22] =	ssyncset.done $0x0  }
0x23: {  	[sflag:s22] =	ssyncadd.s32 $0xFFFFC000  }
0x24: {  	[hbm4b:s10+s2] =	stream.linear.scatter [tilespmem:s18], [sflag:$0x6], $0x4000, $0x38;
	[tilespmem:$0x16400] =	vst v63  }
0x25: {  	s23 =	simm.s32 $0x600  }
0x26: {  	[tilespmem:s24], [sflag:$0x4] =	stream.indirect.gather [hbm4b:s3+s14], $0x20, s23, s14, $0xb8;
	[tilespmem:$0x16400] =	vst v63  }
0x27: {  	_ =	swait.ge [sflag:s25], $0x4000  }
0x28: {  	[sflag:s25] =	ssyncset.done $0x0  }
0x29: {  	[sflag:s25] =	ssyncadd.s32 $0xFFFFC000  }
0x2a: {  	[hbm4b:s11+s2] =	stream.linear.scatter [tilespmem:s21], [sflag:$0x7], $0x4000, $0x38;
	[tilespmem:$0x16400] =	vst v63  }
0x2b: {  	_ =	swait.ge [sflag:s26], $0x4000  }
0x2c: {  	[sflag:s26] =	ssyncset.done $0x0  }
0x2d: {  	s1 =	simm.s32 $0x800;
	[sflag:s26] =	ssyncadd.s32 $0xFFFFC000  }
0x2e: {  	[tilespmem:s17], [sflag:$0x1] =	stream.indirect.gather [hbm4b:s3+s14], $0x20, s1, s14, $0xb8;
	[tilespmem:$0x16400] =	vst v63  }
0x2f: {  	_ =	swait.ge [sflag:s28], $0x4000  }
0x30: {  	[sflag:s28] =	ssyncset.done $0x0  }
0x31: {  	s0 =	sadd.s32 $0x0, s12;
	[sflag:s28] =	ssyncadd.s32 $0xFFFFC000  }
0x32: {  	[hbm4b:s0+s2] =	stream.linear.scatter [tilespmem:s24], [sflag:$0x8], $0x4000, $0x38;
	[tilespmem:$0x16400] =	vst v63  }
0x33: {  	_ =	swait.ge [sflag:s29], $0x4000  }
0x34: {  	[sflag:s29] =	ssyncset.done $0x0  }
0x35: {  	s20 =	simm.s32 $0xA00;
	[sflag:s29] =	ssyncadd.s32 $0xFFFFC000  }
0x36: {  	[tilespmem:s18], [sflag:$0x2] =	stream.indirect.gather [hbm4b:s3+s14], $0x20, s20, s14, $0xb8;
	[tilespmem:$0x16400] =	vst v63  }
0x37: {  	_ =	swait.ge [sflag:s19], $0x4000  }
0x38: {  	s1 =	sadd.s32 $0x0, s13;
	[sflag:s19] =	ssyncset.done $0x0  }
0x39: {  	s20 =	sadd.s32 $0x40000, s1;
	[sflag:s19] =	ssyncadd.s32 $0xFFFFC000  }
0x3a: {  	[hbm4b:s20+s2] =	stream.linear.scatter [tilespmem:s17], [sflag:$0x5], $0x4000, $0x38;
	[tilespmem:$0x16400] =	vst v63  }
0x3b: {  	_ =	swait.ge [sflag:s30], $0x4000  }
0x3c: {  	[sflag:s30] =	ssyncset.done $0x0  }
0x3d: {  	s23 =	simm.s32 $0xC00;
	[sflag:s30] =	ssyncadd.s32 $0xFFFFC000  }
0x3e: {  	[tilespmem:s21], [sflag:$0x3] =	stream.indirect.gather [hbm4b:s3+s14], $0x20, s23, s14, $0xb8;
	[tilespmem:$0x16400] =	vst v63  }
0x3f: {  	_ =	swait.ge [sflag:s22], $0x4000  }
0x40: {  	[sflag:s22] =	ssyncset.done $0x0  }
0x41: {  	s0 =	sadd.s32 $0x50000, s1;
	[sflag:s22] =	ssyncadd.s32 $0xFFFFC000  }
0x42: {  	[hbm4b:s0+s2] =	stream.linear.scatter [tilespmem:s18], [sflag:$0x6], $0x4000, $0x38;
	[tilespmem:$0x16400] =	vst v63  }
0x43: {  	_ =	swait.ge [sflag:s31], $0x4000  }
0x44: {  	[sflag:s31] =	ssyncset.done $0x0  }
0x45: {  	s23 =	simm.s32 $0xE00;
	[sflag:s31] =	ssyncadd.s32 $0xFFFFC000  }
0x46: {  	[tilespmem:s24], [sflag:$0x4] =	stream.indirect.gather [hbm4b:s3+s14], $0x20, s23, s14, $0xb8;
	[tilespmem:$0x16400] =	vst v63  }
0x47: {  	_ =	swait.ge [sflag:s25], $0x4000  }
0x48: {  	s1 =	sadd.s32 $0x60000, s1;
	[sflag:s25] =	ssyncset.done $0x0  }
0x49: {  	s20 =	simm.s32 $0x40000;
	s23 =	simm.s32 $0x1600;
	[sflag:s25] =	ssyncadd.s32 $0xFFFFC000  }
.LBB2_2:
0x4a: {  	[hbm4b:s1+s2] =	stream.linear.scatter [tilespmem:s21], [sflag:$0x7], $0x4000, $0x38;
	[tilespmem:$0x16400] =	vst v63  }
0x4b: {  	s1 =	smov.u32 s20  }
0x4c: {  	p0 =	sne.s32 s20, $0x280000;
	s20 =	sadd.s32 $0x40000, s20;
	_ =	swait.ge [sflag:s26], $0x4000  }
0x4d: {  	[sflag:s26] =	ssyncset.done $0x0  }
0x4e: {  	s0 =	sadd.s32 $0xFFFFFA00, s23;
	[sflag:s26] =	ssyncadd.s32 $0xFFFFC000  }
0x4f: {  	[tilespmem:s17], [sflag:$0x1] =	stream.indirect.gather [hbm4b:s3+s14], $0x20, s0, s14, $0xb8;
	[tilespmem:$0x16400] =	vst v63  }
0x50: {  	_ =	swait.ge [sflag:s28], $0x4000  }
0x51: {  	[sflag:s28] =	ssyncset.done $0x0  }
0x52: {  	s0 =	sadd.s32 s1, s12;
	[sflag:s28] =	ssyncadd.s32 $0xFFFFC000  }
0x53: {  	[hbm4b:s0+s2] =	stream.linear.scatter [tilespmem:s24], [sflag:$0x8], $0x4000, $0x38;
	[tilespmem:$0x16400] =	vst v63  }
0x54: {  	_ =	swait.ge [sflag:s29], $0x4000  }
0x55: {  	[sflag:s29] =	ssyncset.done $0x0  }
0x56: {  	s0 =	sadd.s32 $0xFFFFFC00, s23;
	[sflag:s29] =	ssyncadd.s32 $0xFFFFC000  }
0x57: {  	[tilespmem:s18], [sflag:$0x2] =	stream.indirect.gather [hbm4b:s3+s14], $0x20, s0, s14, $0xb8;
	[tilespmem:$0x16400] =	vst v63  }
0x58: {  	_ =	swait.ge [sflag:s19], $0x4000  }
0x59: {  	s0 =	sadd.s32 s1, s13;
	[sflag:s19] =	ssyncset.done $0x0  }
0x5a: {  	s1 =	sadd.s32 $0x40000, s0;
	[sflag:s19] =	ssyncadd.s32 $0xFFFFC000  }
0x5b: {  	[hbm4b:s1+s2] =	stream.linear.scatter [tilespmem:s17], [sflag:$0x5], $0x4000, $0x38;
	[tilespmem:$0x16400] =	vst v63  }
0x5c: {  	_ =	swait.ge [sflag:s30], $0x4000  }
0x5d: {  	[sflag:s30] =	ssyncset.done $0x0  }
0x5e: {  	s1 =	sadd.s32 $0xFFFFFE00, s23;
	[sflag:s30] =	ssyncadd.s32 $0xFFFFC000  }
0x5f: {  	[tilespmem:s21], [sflag:$0x3] =	stream.indirect.gather [hbm4b:s3+s14], $0x20, s1, s14, $0xb8;
	[tilespmem:$0x16400] =	vst v63  }
0x60: {  	_ =	swait.ge [sflag:s22], $0x4000  }
0x61: {  	[sflag:s22] =	ssyncset.done $0x0  }
0x62: {  	s1 =	sadd.s32 $0x50000, s0;
	[sflag:s22] =	ssyncadd.s32 $0xFFFFC000  }
0x63: {  	[hbm4b:s1+s2] =	stream.linear.scatter [tilespmem:s18], [sflag:$0x6], $0x4000, $0x38;
	[tilespmem:$0x16400] =	vst v63  }
0x64: {  	_ =	swait.ge [sflag:s31], $0x4000  }
0x65: {  	[sflag:s31] =	ssyncset.done $0x0  }
.Ltmp0:
0x66: {  	[sflag:s31] =	ssyncadd.s32 $0xFFFFC000;
	(pc) =	sbr.rel @p0 .LBB2_2-.Ltmp0, $4  }
0x67: {  	[tilespmem:s24], [sflag:$0x4] =	stream.indirect.gather [hbm4b:s3+s14], $0x20, s23, s14, $0xb8;
	[tilespmem:$0x16400] =	vst v63  }
0x68: {  	_ =	swait.ge [sflag:s25], $0x4000  }
0x69: {  	[sflag:s25] =	ssyncset.done $0x0  }
0x6a: {  	s1 =	sadd.s32 $0x60000, s0;
	s23 =	sadd.s32 $0x800, s23;
	[sflag:s25] =	ssyncadd.s32 $0xFFFFC000  }
0x6b: {  	[hbm4b:s1+s2] =	stream.linear.scatter [tilespmem:s21], [sflag:$0x7], $0x4000, $0x38;
	[tilespmem:$0x16400] =	vst v63  }
0x6c: {  	_ =	swait.ge [sflag:s26], $0x4000  }
0x6d: {  	[sflag:s26] =	ssyncset.done $0x0  }
0x6e: {  	s0 =	simm.s32 $0x6000;
	[sflag:s26] =	ssyncadd.s32 $0xFFFFC000  }
0x6f: {  	[tilespmem:s17], [sflag:$0x1] =	stream.indirect.gather [hbm4b:s3+s14], $0x20, s0, s14, $0xb8;
	[tilespmem:$0x16400] =	vst v63  }
0x70: {  	_ =	swait.ge [sflag:s28], $0x4000  }
0x71: {  	[sflag:s28] =	ssyncset.done $0x0  }
0x72: {  	[sflag:s28] =	ssyncadd.s32 $0xFFFFC000  }
0x73: {  	[hbm4b:s7+s2] =	stream.linear.scatter [tilespmem:s24], [sflag:$0x8], $0x4000, $0x38;
	[tilespmem:$0x16400] =	vst v63  }
0x74: {  	_ =	swait.ge [sflag:s29], $0x4000  }
0x75: {  	[sflag:s29] =	ssyncset.done $0x0  }
0x76: {  	s23 =	simm.s32 $0x6200;
	[sflag:s29] =	ssyncadd.s32 $0xFFFFC000  }
0x77: {  	[tilespmem:s18], [sflag:$0x2] =	stream.indirect.gather [hbm4b:s3+s14], $0x20, s23, s14, $0xb8;
	[tilespmem:$0x16400] =	vst v63  }
0x78: {  	_ =	swait.ge [sflag:s19], $0x4000  }
0x79: {  	[sflag:s19] =	ssyncset.done $0x0  }
0x7a: {  	[sflag:s19] =	ssyncadd.s32 $0xFFFFC000  }
0x7b: {  	[hbm4b:s6+s2] =	stream.linear.scatter [tilespmem:s17], [sflag:$0x5], $0x4000, $0x38;
	[tilespmem:$0x16400] =	vst v63  }
0x7c: {  	_ =	swait.ge [sflag:s22], $0x4000  }
0x7d: {  	[sflag:s22] =	ssyncset.done $0x0  }
0x7e: {  	[sflag:s22] =	ssyncadd.s32 $0xFFFFC000  }
0x7f: {  	[hbm4b:s8+s2] =	stream.linear.scatter [tilespmem:s18], [sflag:$0x6], $0x4000, $0x38;
	[tilespmem:$0x16400] =	vst v63  }
0x80: {  	_ =	swait.ge [sflag:s30], $0x4000  }
0x81: {  	[sflag:s30] =	ssyncset.done $0x0  }
0x82: {  	[sflag:s30] =	ssyncadd.s32 $0xFFFFC000  }
0x83: {  	_ =	swait.ge [sflag:s31], $0x4000  }
0x84: {  	[sflag:s31] =	ssyncset.done $0x0  }
0x85: {  	s15 =	sadd.s32 $0x1, s15;
	[sflag:s31] =	ssyncadd.s32 $0xFFFFC000  }
0x86: {  	p0 =	sne.s32 s15, s9;
	_ =	swait.ge [sflag:s26], $0x4000  }
.Ltmp1:
0x87: {  	[sflag:s26] =	ssyncset.done $0x0;
	(pc) =	sbr.rel @p0 .LBB2_1-.Ltmp1, $4  }
0x88: {  	[sflag:s26] =	ssyncadd.s32 $0xFFFFC000  }
0x89: {  	_ =	swait.ge [sflag:s29], $0x4000  }
0x8a: {  	[sflag:s29] =	ssyncset.done $0x0  }
0x8b: {  	[sflag:s29] =	ssyncadd.s32 $0xFFFFC000  }
0x8c: {  	_ =	sfence.sel $0x180000  }
0x8d: {  	[bflag:$0x0] =	sbarrier.arrive $0xFFFF  }
0x8e: {  	_ =	strace $0x90000047  }
0x8f: {  	s0 =	stileid.u32;
	[bflag:$0x2] =	sbarrier.arrive $0xFFFF  }
0x90: {  	p0 =	sne.s32 s0, $0x0;
	s0 =	rddreg [dreg:$0x2]  }
0x91: {  	s0 =	sadd.s32 @!p0 $0x100000, s0  }
0x92: {  	[sflag:s0] =	ssyncadd.tile.s32 @!p0 $0x1;
	_ =	shalt  }
.Lfunc_end2:
_tile_overlayer_lowered:
.L_overlay_start_2:
0x93: {  	(tag) =	ssettag $0x2  }
0x94: {  	s0 =	rddreg [dreg:$0x0];
	s2 =	stileid.u32  }
0x95: {  	s1 =	rddreg [dreg:$0x1];
	p0 =	sne.s32 s2, $0x0  }
0x96: {  	s3 =	rddreg [dreg:$0x2];
	[bflag:$0x3] =	sbarrier.arrive $0xFFFF;
	s2 =	simm.s32 @!p0 $0x1C0A  }
0x97: {  	[timem:s3], [sflag:s2] =	dma.local @!p0 [hbm:s0], s1  }
0x98: {  	s0 =	simm.s32 @!p0 $0xA  }
0x99: {  	_ =	swait.ge @!p0 [sflag:s0], s1  }
0x9a: {  	s1 =	ssub.s32 @!p0 $0x0, s1;
	[sflag:s0] =	ssyncset.done @!p0 $0x0  }
0x9b: {  	[sflag:s0] =	ssyncadd.s32 @!p0 s1  }
0x9c: {  	[bflag:$0x3] =	sbarrier.arrive $0xFFFF  }
0x9d: {  	_ =	shalt  }

// kernel: sparse-core-data-format-call.cloned.1.call-start
scs
called_computation_lowered:
.L_overlay_start_0:
0x0: {  	s2 =	sld [smem:$0x3FD9]  }
0x1: {  	s3 =	sld [smem:$0x3FFE];
	_ =	sdelay $0x1  }
0x2: {  	s1 =	srdreg.scid  }
0x3: {  	s0 =	sand.u32 $0x1, s1  }
0x4: {  	s18 =	sshll.u32 s0, $0xA;
	s2 =	sadd.s32 s3, s2  }
0x5: {  	s2 =	sadd.s32 s2, s18  }
0x6: {  	[smem:$0x3FC6] =	sst s2  }
0x7: {  	_ = 	snop  }
0x8: {  	s2 =	sld [smem:$0x3FD0];
	(tm) =	ssettm $0x1  }
0x9: {  	s19 =	sld [smem:$0x3FFB];
	_ =	sdelay $0x3  }
0xa: {  	_ =	strace s19  }
0xb: {  	s3 =	sld [smem:$0x3FFC];
	_ =	sdelay $0x3  }
0xc: {  	_ =	strace s3  }
0xd: {  	s3 =	sld [smem:$0x3FFD];
	_ =	sdelay $0x3  }
0xe: {  	_ =	strace s3  }
0xf: {  	_ =	strace $0x8FFFFFFF  }
0x10: {  	s20 =	sld [smem:$0x3FDB];
	_ =	sdelay $0x1  }
0x11: {  	s4 =	simm.s32 $_scs_section_size  }
0x12: {  	s5 =	simm.s32 $_size__tile_overlayer_lowered;
	s6 =	simm.s32 $_tile_overlayer_lowered  }
0x13: {  	s23 =	simm.s32 $0x1BFF;
	s22 =	sshll.u32 s6, $0x1;
	s3 =	sadd.s32 s4, s20  }
0x14: {  	s7 =	simm.s32 $0x0;
	s21 =	sshll.u32 s5, $0x1;
	s5 =	sadd.s32 s22, s3  }
0x15: {  	[timem:s7], [sflag:s23] =	dma.local [hbm:s5], s21  }
0x16: {  	_ =	swait.ge [sflag:s23], s21  }
0x17: {  	s4 =	ssub.s32 $0x0, s21;
	[sflag:s23] =	ssyncset.done $0x0  }
0x18: {  	[sflag:s23] =	ssyncadd.s32 s4;
	_ =	sdelay $0x1  }
0x19: {  	s24 =	simm.s32 $0x1B8B  }
0x1a: {  	_ =	swait.ge [sflag:s24], $0x1  }
0x1b: {  	[sflag:s24] =	ssyncset.done $0x0  }
0x1c: {  	s26 =	simm.s32 $0x1B8E;
	s25 =	sld [smem:$0x3FFE];
	[sflag:s24] =	ssyncadd.s32 $0xFFFFFFFF  }
0x1d: {  	s27 =	simm.s32 $execute0_lowered;
	[smem:$0x3FD2] =	sst s26  }
0x1e: {  	s5 =	sshll.u32 s27, $0x1;
	_ =	strace $0x80000049;
	[dreg:$0x1] =	wrdreg $0xFFFFFFFF  }
0x1f: {  	s28 =	simm.s32 $_size_execute0_lowered;
	s3 =	sadd.s32 s3, s5;
	[dreg:$0x0] =	wrdreg $0x0  }
0x20: {  	s5 =	sshll.u32 s28, $0x1;
	[dreg:$0x2] =	wrdreg s3  }
0x21: {  	[dreg:$0x3] =	wrdreg s5  }
0x22: {  	[dreg:$0x4] =	wrdreg $0xC0  }
0x23: {  	_ =	task [dreg:s7], $0x5FFFF  }
0x24: {  	[dreg:$0x1] =	wrdreg $0xFFFFFFFF  }
0x25: {  	[dreg:$0x0] =	wrdreg $0x60  }
0x26: {  	[dreg:$0x2] =	wrdreg s25  }
0x27: {  	[dreg:$0x3] =	wrdreg s2  }
0x28: {  	[dreg:$0x4] =	wrdreg $0x9  }
0x29: {  	_ =	task.clear_ibuf [dreg:s7], $0x5FFFF;
	_ =	strace $0x90000049  }
0x2a: {  	s29 =	simm.s32 $0x9;
	_ =	strace $0x8000004B  }
0x2b: {  	_ =	swait.ge [sflag:s29], $0x1  }
0x2c: {  	[sflag:s29] =	ssyncadd.s32 $0xFFFFFFFF  }
0x2d: {  	_ =	strace $0x9000004B  }
0x2e: {  	_ =	sfence  }
0x2f: {  	s30 =	sld [smem:$0x0];
	_ =	sdelay $0x2  }
0x30: {  	s31 =	sshll.u32 s1, $0xD;
	s1 =	sshrl.u32 s1, $0x2  }
0x31: {  	s3 =	sand.u32 $0x4000, s31;
	s1 =	sadd.s32 s1, s30  }
0x32: {  	s0 =	sor.u32 s3, s0;
	s1 =	sshll.u32 s1, $0x11  }
0x33: {  	s0 =	sor.u32 s1, s0  }
0x34: {  	s0 =	sadd.s32 $0x8F2B, s0  }
0x35: {  	[sflag:s0] =	ssyncadd.remote.s32 $0x1  }
0x36: {  	_ =	sfence.sel $0xFFFF  }
0x37: {  	[dreg:$0x0] =	wrdreg $0xFFFFFFFF;
	(pc) =	sbr.abs _section_cstart, $3  }
0x38: {  	[dreg:$0x1] =	wrdreg $0xFFFFFFFF  }
0x39: {  	_ =	task.clear_ibuf [dreg:s7], $0x2FFFF;
	_ =	strace $0x9FFFFFFF  }
0x3a: {  	(tm) =	ssettm $0x7FFFFFFF  }
0x3b: {  	_ =	shalt  }
tec
execute0_lowered:
.L_overlay_start_1:
0x0: {  	(tag) =	ssettag $0x1  }
0x1: {  	s0 =	srdreg.scid  }
0x2: {  	s1 =	sshll.u32 s0, $0x4  }
0x3: {  	s0 =	stileid.u32;
	s1 =	sand.u32 $0x10, s1  }
0x4: {  	s7 =	rddreg [dreg:$0x0];
	s1 =	sor.u32 s0, s1  }
0x5: {  	s4 =	simm.s32 $0x1;
	s8 =	simm.s32 $0x2;
	s2 =	sshll.u32 s1, $0x7  }
0x6: {  	s13 =	simm.s32 $0x0;
	s9 =	simm.s32 $0x20000;
	s1 =	ssub.s32 $0x4000, s2  }
0x7: {  	s14 =	simm.s32 $0x0;
	s11 =	simm.s32 $0x0;
	s3 =	sand.u32 $0xF80, s1  }
0x8: {  	s12 =	simm.s32 $0x0;
	s5 =	sshrl.u32 s1, $0xC;
	p0 =	sne.s32 s3, $0x0  }
.Ltmp0:
0x9: {  	s1 =	rddreg [dreg:$0x2];
	s4 =	simm.s32 @!p0 $0x0;
	(pc) =	sbr.rel .LBB1_1-.Ltmp0, $4  }
0xa: {  	s6 =	sadd.s32 $0xA00, s7;
	s3 =	rddreg [dreg:$0x1];
	s5 =	sadd.s32 s4, s5  }
0xb: {  	_ =	strace $0x8000004A;
	s4 =	simm.s32 $0x1;
	s5 =	smul.u32 $0x19, s5  }
0xc: {  	s7 =	sadd.s32 $0x40A00, s7;
	s10 =	smov.u32 s2;
	[sflag:s4] =	ssyncpa.u1 $0x0  }
0xd: {  	p0 =	por $0x0, $0x0;
	[sflag:s8] =	ssyncpa.u1 $0x0;
	s8 =	sadd.s32 $0x1, s5  }
.LBB1_7:
0xe: {  	s15 =	sadd.s32 $0x1000, s10  }
0xf: {  	s13 =	sadd.s32 $0x2, s11;
	s17 =	smov.u32 s11;
	p2 =	sgt.s32 s15, $0x3FFF  }
0x10: {  	s17 =	smov.u32 @p2 s13  }
0x11: {  	s15 =	smov.u32 @p2 s2;
	p2 =	sgt.s32 s17, $0x31  }
0x12: {  	s17 =	simm.s32 @p2 $0x0;
	p2 =	sne.s32 s12, s8  }
.Ltmp1:
0x13: {  	p1 =	slt.u32 s12, $0x2;
	(pc) =	sbr.rel @!p2 .LBB1_8-.Ltmp1, $4  }
0x14: {  	s16 =	simm.s32 @!p1 $0x2  }
0x15: {  	s14 =	smov.u32 s11;
	p0 =	por !p0, !p0;
	_ =	swait.ge @!p1 [sflag:s16], $0x2000  }
0x16: {  	s13 =	smov.u32 s10;
	[sflag:s16] =	ssyncset.done @!p1 $0x0;
	s10 =	smov.u32 s15  }
0x17: {  	s12 =	sadd.s32 $0x1, s12;
	[sflag:s16] =	ssyncadd.s32 @!p1 $0xFFFFE000;
	s11 =	smov.u32 s17  }
.LBB1_1:
0x18: {  	p1 =	sge.u32 s12, s5  }
0x19: {  	s15 =	sxor.u32 @!p1 $0xFFFFFFFF, s12;
	s16 =	sshll.u32 @!p1 s11, $0x12  }
0x1a: {  	s17 =	sshll.u32 @!p1 s10, $0x4;
	s19 =	simm.s32 @!p1 $0x20;
	s20 =	simm.s32 @!p1 $0x80  }
0x1b: {  	s15 =	sshll.u32 @!p1 s15, $0xD;
	s17 =	sand.u32 @!p1 $0x3FFF0, s17;
	s18 =	sadd.s32 @!p1 s6, s16  }
0x1c: {  	s16 =	sadd.s32 @!p1 s16, s7;
	s15 =	sand.u32 @!p1 $0x2000, s15;
	s18 =	sadd.s32 @!p1 s17, s18  }
0x1d: {  	[tilespmem:s15], [sflag:$0x1] =	stream.strided.gather @!p1 [hbm4b:s18+s19], $0x1000, s20, s19, $0x38;
	[tilespmem:$0x8080] =	vst v63  }
0x1e: {  	s31 =	sadd.s32 $0xFFFFFFFF, s12;
	s16 =	sadd.s32 @!p1 s17, s16;
	s15 =	sor.u32 @!p1 $0x1000, s15  }
0x1f: {  	[tilespmem:s15], [sflag:$0x1] =	stream.strided.gather @!p1 [hbm4b:s16+s19], $0x1000, s20, s19, $0x38;
	[tilespmem:$0x8080] =	vst v63  }
0x20: {  	p1 =	sge.u32 s31, s5  }
.Ltmp2:
0x21: {  	_ = 	snop;
	(pc) =	sbr.rel @p1 .LBB1_7-.Ltmp2, $1  }
0x22: {  	_ =	sdelay $0x3  }
0x23: {  	s15 =	simm.s32 $0x1;
	s17 =	sand.u32 $0x1, s12  }
0x24: {  	_ =	swait.ge [sflag:s4], $0x2000;
	s15 =	simm.s32 @!p0 $0x0;
	s17 =	smul.u32 $0x8100, s17  }
0x25: {  	p2 =	por $0x1, $0x1;
	[sflag:s4] =	ssyncset.done $0x0;
	s16 =	smul.u32 $0x8100, s15  }
0x26: {  	s18 =	sshll.u32 s15, $0xF;
	[sflag:s4] =	ssyncadd.s32 $0xFFFFE000;
	s30 =	sshrl.u32 s17, $0x2  }
0x27: {  	s31 =	sshrl.u32 s18, $0x2;
	s18 =	simm.s32 $0x0;
	s16 =	sshrl.u32 s16, $0x2  }
0x28: {  	s15 =	sor.u32 $0x4000, s30;
	s17 =	sadd.s32 $0x10, s31;
	s16 =	sor.u32 $0x4000, s16  }
.LBB1_3:
0x29: {  	s19 =	sshll.u32 s18, $0xC  }
0x2a: {  	s19 =	sand.u32 $0x3FFFF000, s19  }
0x2b: {  	s20 =	sadd.s32 s19, s17  }
0x2c: {  	s31 =	smul.u32 $0x4080, s18;
	v1 =	vld [tilespmem:s20+$0x0]  }
0x2d: {  	v0 =	vld [tilespmem:s20+$0xFFFFFFF0]  }
0x2e: {  	s18 =	sshra.s32 s31, $0x2  }
0x2f: {  	s18 =	sadd.s32 s18, s16  }
0x30: {  	s21 =	sadd.s32 $0x0, s18  }
0x31: {  	p1 =	por p2, p2;
	s19 =	simm.s32 $0x4;
	s20 =	sadd.s32 $0x20, s20;
	[tilespmem:s21+$0x810 ss:$0x81] =	vst.msk $0xffff, v1  }
.LBB1_4:
0x32: {  	v1 =	vld [tilespmem:s20+$0x0];
	p2 =	sne.s32 s19, $0x1FC;
	[tilespmem:s21+$0x0 ss:$0x81] =	vst.msk $0xffff, v0;
	s21 =	smov.u32 s19;
	s19 =	sadd.s32 $0x4, s19  }
.Ltmp3:
0x33: {  	v0 =	vld [tilespmem:s20+$0xFFFFFFF0];
	(pc) =	sbr.rel @p2 .LBB1_4-.Ltmp3, $4  }
0x34: {  	_ = 	snop  }
0x35: {  	s21 =	sshra.s32 s21, $0x2  }
0x36: {  	s21 =	sadd.s32 s21, s18  }
0x37: {  	s20 =	sadd.s32 $0x20, s20;
	[tilespmem:s21+$0x810 ss:$0x81] =	vst.msk $0xffff, v1  }
.Ltmp4:
0x38: {  	(pc) =	sbr.rel @p1 .LBB1_3-.Ltmp4, $2  }
0x39: {  	_ =	sdelay $0x2  }
0x3a: {  	[tilespmem:s21+$0x0 ss:$0x81] =	vst.msk $0xffff, v0;
	s18 =	simm.s32 $0x1;
	p2 =	por $0x0, $0x0  }
0x3b: {  	s16 =	sshll.u32 s13, $0x3;
	s17 =	sand.u32 $0x78, s13;
	s14 =	sshll.u32 s14, $0x10  }
.Ltmp5:
0x3c: {  	s30 =	sand.u32 $0xF800, s13;
	s16 =	sand.u32 $0x3C00, s16;
	(pc) =	sbr.rel .LBB1_7-.Ltmp5, $4  }
0x3d: {  	s31 =	sand.u32 $0x7, s13;
	s14 =	sadd.s32 s3, s14;
	s16 =	sor.u32 s17, s16  }
0x3e: {  	s13 =	sshll.u32 s31, $0x12;
	s14 =	sadd.s32 s30, s14;
	s16 =	sshrl.u32 s16, $0x3  }
0x3f: {  	s13 =	sor.u32 $0x400, s13;
	s14 =	sadd.s32 s16, s14  }
0x40: {  	[hbm4b:s14+s13] =	stream.strided.scatter [tilespmem:s15], [sflag:$0x2], $0x2000, s9, s13, $0x20;
	[tilespmem:$0x8080] =	vst v63  }
.LBB1_8:
0x41: {  	_ =	sfence.sel $0x180000  }
0x42: {  	s2 =	simm.s32 $0x1;
	[bflag:$0x0] =	sbarrier.arrive $0xFFFF  }
0x43: {  	s31 =	simm.s32 $0x2;
	[sflag:s2] =	ssyncpa.u1 $0x1  }
0x44: {  	[sflag:s31] =	ssyncpa.u1 $0x1  }
0x45: {  	p0 =	sne.s32 s0, $0x0;
	_ =	strace $0x9000004A  }
0x46: {  	s0 =	sadd.s32 @!p0 $0x100000, s1;
	[bflag:$0x2] =	sbarrier.arrive $0xFFFF  }
0x47: {  	[sflag:s0] =	ssyncadd.tile.s32 @!p0 $0x1;
	_ =	shalt  }
.Lfunc_end1:
_tile_overlayer_lowered:
.L_overlay_start_2:
0x48: {  	(tag) =	ssettag $0x2  }
0x49: {  	s0 =	rddreg [dreg:$0x0];
	s2 =	stileid.u32  }
0x4a: {  	s1 =	rddreg [dreg:$0x1];
	p0 =	sne.s32 s2, $0x0  }
0x4b: {  	s3 =	rddreg [dreg:$0x2];
	[bflag:$0x3] =	sbarrier.arrive $0xFFFF;
	s2 =	simm.s32 @!p0 $0x1C01  }
0x4c: {  	[timem:s3], [sflag:s2] =	dma.local @!p0 [hbm:s0], s1  }
0x4d: {  	s0 =	simm.s32 @!p0 $0x1  }
0x4e: {  	_ =	swait.ge @!p0 [sflag:s0], s1  }
0x4f: {  	s1 =	ssub.s32 @!p0 $0x0, s1;
	[sflag:s0] =	ssyncset.done @!p0 $0x0  }
0x50: {  	[sflag:s0] =	ssyncadd.s32 @!p0 s1  }
0x51: {  	[bflag:$0x3] =	sbarrier.arrive $0xFFFF  }
0x52: {  	_ =	shalt  }

</sc_bundles>
